<compile_context>
chip_gen: v7x
topology: tpu7x:2x2x1
jax: 0.10.2.dev20260603
libtpu: 0.0.44.dev20260713+nightly
codegen_flags: <defaults>
</compile_context>

<pallas_src>
import functools

import jax
import jax.numpy as jnp
from jax.experimental import pallas as pl
from jax.experimental.pallas import tpu as pltpu

D_MODEL = 1024
D_SPACE = 64
N_FQK = 2048
N_FV = 1024
N_REL = 2048
N_VAL = 1024
_POOLS = (
    (0, N_FQK, 64),
    (N_FQK, N_FV, 32),
    (N_FQK + N_FV, N_REL, 64),
    (N_FQK + N_FV + N_REL + N_VAL, N_REL, 64),
    (N_FQK + N_FV + N_REL, N_VAL, 32),
)
_N_TOTAL = N_FQK + N_FV + 2 * N_REL + N_VAL


def _logits_body(x_ref, w_ref, b_ref, emb_ref, out_ref):
    h = jnp.dot(x_ref[...], w_ref[...], preferred_element_type=jnp.float32)
    h = h + b_ref[...]
    e = emb_ref[...]
    inv = jax.lax.rsqrt(jnp.maximum(jnp.sum(e * e, axis=1, keepdims=True), 1e-24))
    out_ref[...] = jnp.dot(h, (e * inv).T, preferred_element_type=jnp.float32)


def kernel(x, W_proj, b_proj, neuron_emb, neuron_emb_rk):
    B, S, _ = x.shape
    T = B * S
    xf = x.reshape(T, D_MODEL)
    emb = jnp.concatenate(
        [neuron_emb[: N_FQK + N_FV + N_REL + N_VAL], neuron_emb_rk], axis=0
    )
    TB = 256
    logits = pl.pallas_call(
        _logits_body,
        grid=(T // TB,),
        in_specs=[
            pl.BlockSpec((TB, D_MODEL), lambda i: (i, 0)),
            pl.BlockSpec((D_MODEL, D_SPACE), lambda i: (0, 0)),
            pl.BlockSpec((1, D_SPACE), lambda i: (0, 0)),
            pl.BlockSpec((_N_TOTAL, D_SPACE), lambda i: (0, 0)),
        ],
        out_specs=pl.BlockSpec((TB, _N_TOTAL), lambda i: (i, 0)),
        out_shape=jax.ShapeDtypeStruct((T, _N_TOTAL), jnp.float32),
    )(xf, W_proj, b_proj.reshape(1, D_SPACE), emb)

    outs = []
    for (s, n, k) in _POOLS:
        vals, idx = jax.lax.top_k(logits[:, s : s + n].reshape(B, S, n), k)
        w = jax.nn.softmax(vals, axis=-1)
        outs += [w, idx]
    return tuple(outs)

# --- scband reference (transcript-rebuilt; emitter-appended) ---
"""Pipeline reference for scband-global-routers-31035433681146 (READ-ONLY COPY).

The authoritative reference and input builder live on the scoring server;
editing this copy changes nothing except your own understanding.
"""

import jax, jax.numpy as jnp
import numpy as np

D_MODEL = 1024
D_SPACE = 64
N_FQK = 2048
N_FV = 1024
N_REL = 2048
N_VAL = 1024
N_KNOW = 4096
TOTAL = N_FQK + N_FV + N_REL + N_VAL + N_KNOW
TK_FQK = 64
TK_FV = 32
TK_REL = 64
TK_VAL = 32


def _normalize(v):
    return v / jnp.clip(jnp.linalg.norm(v, axis=-1, keepdims=True), 1e-12)


def setup_inputs(seed: int = 0) -> dict:
    key = jax.random.key(seed)
    ks = jax.random.split(key, 5)
    x = jax.random.normal(ks[0], (4, 2048, D_MODEL), dtype=jnp.float32)
    W_proj = jax.random.normal(ks[1], (D_MODEL, D_SPACE), dtype=jnp.float32) * (1.0 / np.sqrt(D_MODEL))
    b_proj = jnp.zeros((D_SPACE,), dtype=jnp.float32)
    neuron_emb = jax.random.normal(ks[2], (TOTAL, D_SPACE), dtype=jnp.float32) * 0.02
    neuron_emb_rk = jax.random.normal(ks[3], (N_REL, D_SPACE), dtype=jnp.float32) * 0.02
    return {"x": x, "W_proj": W_proj, "b_proj": b_proj, "neuron_emb": neuron_emb, "neuron_emb_rk": neuron_emb_rk}


def reference(x, W_proj, b_proj, neuron_emb, neuron_emb_rk):
    # UnifiedNeuronRouter.get_logits (eval mode: dropout = identity, no excitability bonus)
    h = x @ W_proj + b_proj  # [B, S, d_space]

    def route(emb_slice, k):
        emb_norm = _normalize(emb_slice)
        logits = jnp.einsum('bsd,nd->bsn', h, emb_norm)
        vals, idx = jax.lax.top_k(logits, k)
        w = jax.nn.softmax(vals, axis=-1)
        return w, idx

    fqk_w, fqk_i = route(neuron_emb[:N_FQK], TK_FQK)
    fv_w, fv_i = route(neuron_emb[N_FQK:N_FQK + N_FV], TK_FV)
    rq_w, rq_i = route(neuron_emb[N_FQK + N_FV:N_FQK + N_FV + N_REL], TK_REL)
    rk_w, rk_i = route(neuron_emb_rk, TK_REL)
    v_w, v_i = route(neuron_emb[N_FQK + N_FV + N_REL:N_FQK + N_FV + N_REL + N_VAL], TK_VAL)
    return (fqk_w, fqk_i, fv_w, fv_i, rq_w, rq_i, rk_w, rk_i, v_w, v_i)

if __name__ == "__main__":
    import jax
    _d = setup_inputs()
    print(jax.jit(kernel)(*tuple(_d.values())))

</pallas_src>

<mosaic_0001>
module attributes {stable_mosaic.version = 14 : i64} {
  func.func @_logits_body(%arg0: i32, %arg1: memref<256x1024xf32, #tpu.memory_space<vmem>>, %arg2: memref<1024x64xf32, #tpu.memory_space<vmem>>, %arg3: memref<1x64xf32, #tpu.memory_space<vmem>>, %arg4: memref<8192x64xf32, #tpu.memory_space<vmem>>, %arg5: memref<256x8192xf32, #tpu.memory_space<vmem>>) attributes {dimension_semantics = [#tpu.dimension_semantics<arbitrary>], iteration_bounds = array<i64: 32>, scalar_prefetch = 0 : i64, scratch_operands = 0 : i64, tpu.core_type = #tpu.core_type<tc>, window_params = [{transform_indices = @transform_0, window_bounds = array<i64: 256, 1024>}, {pipeline_mode = #tpu.pipeline_mode<synchronous>, transform_indices = @transform_1, window_bounds = array<i64: 1024, 64>}, {pipeline_mode = #tpu.pipeline_mode<synchronous>, transform_indices = @transform_2, window_bounds = array<i64: 1, 64>}, {pipeline_mode = #tpu.pipeline_mode<synchronous>, transform_indices = @transform_3, window_bounds = array<i64: 8192, 64>}, {transform_indices = @transform_4, window_bounds = array<i64: 256, 8192>}]} {
    %get3A = arith.constant 0 : index
    %get3A_0 = arith.constant 0 : index
    %get3A_1 = vector.load %arg1[%get3A, %get3A_0] : memref<256x1024xf32, #tpu.memory_space<vmem>>, vector<256x1024xf32>
    %get3A_2 = arith.constant 0 : index
    %get3A_3 = arith.constant 0 : index
    %get3A_4 = vector.load %arg2[%get3A_2, %get3A_3] : memref<1024x64xf32, #tpu.memory_space<vmem>>, vector<1024x64xf32>
    %dot_general3A = arith.constant dense<0.000000e+00> : vector<256x64xf32>
    %dot_general3A_5 = tpu.matmul %get3A_1, %get3A_4, %dot_general3A {dimension_numbers = #tpu.dot_dimension_numbers<[1], [0], [0], [1], [0, 0, 1, 1], [], []>, transpose_lhs_hint = false} : vector<256x1024xf32>, vector<1024x64xf32>, vector<256x64xf32> -> vector<256x64xf32>
    %get3A_6 = arith.constant 0 : index
    %get3A_7 = arith.constant 0 : index
    %get3A_8 = vector.load %arg3[%get3A_6, %get3A_7] : memref<1x64xf32, #tpu.memory_space<vmem>>, vector<1x64xf32>
    %add3A = vector.broadcast %get3A_8 : vector<1x64xf32> to vector<256x64xf32>
    %add3A_9 = arith.addf %dot_general3A_5, %add3A : vector<256x64xf32>
    %get3A_10 = arith.constant 0 : index
    %get3A_11 = arith.constant 0 : index
    %get3A_12 = vector.load %arg4[%get3A_10, %get3A_11] : memref<8192x64xf32, #tpu.memory_space<vmem>>, vector<8192x64xf32>
    %mul3A = arith.mulf %get3A_12, %get3A_12 : vector<8192x64xf32>
    %reduce_sum3A = arith.constant dense<0.000000e+00> : vector<8192xf32>
    %reduce_sum3A_13 = vector.multi_reduction <add>, %mul3A, %reduce_sum3A [1] : vector<8192x64xf32> to vector<8192xf32>
    %broadcast_in_dim3A = vector.shape_cast %reduce_sum3A_13 : vector<8192xf32> to vector<8192x1xf32>
    %max3A = arith.constant 1.000000e-24 : f32
    %max3A_14 = vector.broadcast %max3A : f32 to vector<8192x1xf32>
    %max3A_15 = arith.maximumf %broadcast_in_dim3A, %max3A_14 : vector<8192x1xf32>
    %rsqrt3A = math.rsqrt %max3A_15 : vector<8192x1xf32>
    %mul3A_16 = vector.broadcast %rsqrt3A : vector<8192x1xf32> to vector<8192x64xf32>
    %mul3A_17 = arith.mulf %get3A_12, %mul3A_16 : vector<8192x64xf32>
    %transpose3A = tpu.transpose %mul3A_17, [1, 0] : vector<8192x64xf32> -> vector<64x8192xf32>
    %dot_general3A_18 = arith.constant dense<0.000000e+00> : vector<256x8192xf32>
    %dot_general3A_19 = tpu.matmul %add3A_9, %transpose3A, %dot_general3A_18 {dimension_numbers = #tpu.dot_dimension_numbers<[1], [0], [0], [1], [0, 0, 1, 1], [], []>, transpose_lhs_hint = false} : vector<256x64xf32>, vector<64x8192xf32>, vector<256x8192xf32> -> vector<256x8192xf32>
    %swap3A = arith.constant 0 : index
    %swap3A_20 = arith.constant 0 : index
    %swap3A_21 = vector.load %arg5[%swap3A, %swap3A_20] : memref<256x8192xf32, #tpu.memory_space<vmem>>, vector<256x8192xf32>
    tpu.vector_store %arg5[%swap3A, %swap3A_20], %dot_general3A_19 {strides = array<i32>} : memref<256x8192xf32, #tpu.memory_space<vmem>>, vector<256x8192xf32>,
    return
  }
  func.func @transform_0(%arg0: i32) -> (i32, i32) {
    %c0_i32 = arith.constant 0 : i32
    %c0_i32_0 = arith.constant 0 : i32
    return %arg0, %c0_i32 : i32, i32
  }
  func.func @transform_1(%arg0: i32) -> (i32, i32) {
    %c0_i32 = arith.constant 0 : i32
    %c0_i32_0 = arith.constant 0 : i32
    %c0_i32_1 = arith.constant 0 : i32
    return %c0_i32, %c0_i32_0 : i32, i32
  }
  func.func @transform_2(%arg0: i32) -> (i32, i32) {
    %c0_i32 = arith.constant 0 : i32
    %c0_i32_0 = arith.constant 0 : i32
    %c0_i32_1 = arith.constant 0 : i32
    return %c0_i32, %c0_i32_0 : i32, i32
  }
  func.func @transform_3(%arg0: i32) -> (i32, i32) {
    %c0_i32 = arith.constant 0 : i32
    %c0_i32_0 = arith.constant 0 : i32
    %c0_i32_1 = arith.constant 0 : i32
    return %c0_i32, %c0_i32_0 : i32, i32
  }
  func.func @transform_4(%arg0: i32) -> (i32, i32) {
    %c0_i32 = arith.constant 0 : i32
    %c0_i32_0 = arith.constant 0 : i32
    return %arg0, %c0_i32 : i32, i32
  }
}

</mosaic_0001>

<sc_bundles>
// kernel: sparse-core-data-format-call.1.cloned.1.call-start
scs
called_computation.1_lowered:
.L_overlay_start_0:
0x0: {  	s2 =	sld [smem:$0x3FD9]  }
0x1: {  	s3 =	sld [smem:$0x3FFE];
	_ =	sdelay $0x1  }
0x2: {  	s1 =	srdreg.scid  }
0x3: {  	s0 =	sand.u32 $0x1, s1  }
0x4: {  	s18 =	sshll.u32 s0, $0xA;
	s2 =	sadd.s32 s3, s2  }
0x5: {  	s2 =	sadd.s32 s2, s18  }
0x6: {  	[smem:$0x3FC3] =	sst s2  }
0x7: {  	_ = 	snop  }
0x8: {  	(tm) =	ssettm $0x1  }
0x9: {  	s19 =	sld [smem:$0x3FFB];
	_ =	sdelay $0x3  }
0xa: {  	_ =	strace s19  }
0xb: {  	s2 =	sld [smem:$0x3FFC];
	_ =	sdelay $0x3  }
0xc: {  	_ =	strace s2  }
0xd: {  	s2 =	sld [smem:$0x3FFD];
	_ =	sdelay $0x3  }
0xe: {  	_ =	strace s2  }
0xf: {  	_ =	strace $0x8FFFFFFF  }
0x10: {  	s20 =	sld [smem:$0x3FDB];
	_ =	sdelay $0x1  }
0x11: {  	s21 =	simm.s32 $_scs_section_size  }
0x12: {  	s4 =	simm.s32 $_size__tile_overlayer_lowered;
	s5 =	simm.s32 $_tile_overlayer_lowered  }
0x13: {  	s6 =	simm.s32 $0x1BFF;
	s22 =	sshll.u32 s5, $0x1;
	s3 =	sadd.s32 s21, s20  }
0x14: {  	s23 =	simm.s32 $0x0;
	s4 =	sshll.u32 s4, $0x1;
	s5 =	sadd.s32 s22, s3  }
0x15: {  	[timem:s23], [sflag:s6] =	dma.local [hbm:s5], s4  }
0x16: {  	_ =	swait.ge [sflag:s6], s4  }
0x17: {  	s4 =	ssub.s32 $0x0, s4;
	[sflag:s6] =	ssyncset.done $0x0  }
0x18: {  	[sflag:s6] =	ssyncadd.s32 s4;
	_ =	sdelay $0x1  }
0x19: {  	s24 =	simm.s32 $0x1B8B  }
0x1a: {  	_ =	swait.ge [sflag:s24], $0x1  }
0x1b: {  	[sflag:s24] =	ssyncset.done $0x0  }
0x1c: {  	[sflag:s24] =	ssyncadd.s32 $0xFFFFFFFF  }
0x1d: {  	s4 =	sld [smem:$0x0]  }
0x1e: {  	s5 =	sand.u32 $0xFFFFFFFE, s1  }
0x1f: {  	p0 =	sne.s32 s1, s5  }
0x20: {  	s5 =	sshll.u32 @p0 s5, $0xE  }
0x21: {  	s5 =	sadd.s32 @p0 $0x11B8D, s5;
	s6 =	sshll.u32 @p0 s4, $0x11  }
0x22: {  	s5 =	sor.u32 @p0 s6, s5  }
0x23: {  	[sflag:s5] =	ssyncadd.remote.s32 @p0 $0x1;
	_ =	sdelay $0x1  }
0x24: {  	s5 =	simm.s32 @p0 $0x1B8D  }
0x25: {  	_ =	swait.eq @p0 [sflag:s5], $0x1  }
0x26: {  	[sflag:s5] =	ssyncadd.s32 @p0 $0xFFFFFFFF  }
0x27: {  	s6 =	sshll.u32 @!p0 s1, $0xE  }
0x28: {  	s6 =	sor.u32 @!p0 $0x4000, s6;
	s5 =	simm.s32 @!p0 $0x1B8D  }
0x29: {  	s4 =	sshll.u32 @!p0 s4, $0x11;
	s6 =	sadd.s32 @!p0 $0x11B8D, s6;
	_ =	swait.eq @!p0 [sflag:s5], $0x1  }
0x2a: {  	s4 =	sor.u32 @!p0 s4, s6;
	[sflag:s5] =	ssyncadd.s32 @!p0 $0xFFFFFFFF  }
0x2b: {  	s26 =	simm.s32 $0x1B8E;
	s25 =	sld [smem:$0x3FFE];
	[sflag:s4] =	ssyncadd.remote.s32 @!p0 $0x1  }
0x2c: {  	s27 =	simm.s32 $execute0_lowered;
	[smem:$0x3FD2] =	sst s26  }
0x2d: {  	s5 =	sshll.u32 s27, $0x1;
	_ =	strace $0x8000004F;
	[dreg:$0x1] =	wrdreg $0xFFFFFFFF  }
0x2e: {  	s28 =	simm.s32 $_size_execute0_lowered;
	s3 =	sadd.s32 s3, s5;
	[dreg:$0x0] =	wrdreg $0x0  }
0x2f: {  	s5 =	sshll.u32 s28, $0x1;
	[dreg:$0x2] =	wrdreg s3  }
0x30: {  	[dreg:$0x3] =	wrdreg s5  }
0x31: {  	[dreg:$0x4] =	wrdreg $0xC0  }
0x32: {  	_ =	task [dreg:s23], $0x5FFFF  }
0x33: {  	[dreg:$0x1] =	wrdreg $0xFFFFFFFF  }
0x34: {  	[dreg:$0x0] =	wrdreg $0x60  }
0x35: {  	[dreg:$0x2] =	wrdreg s25  }
0x36: {  	[dreg:$0x3] =	wrdreg $0xA  }
0x37: {  	_ =	task.clear_ibuf [dreg:s23], $0x4FFFF;
	_ =	strace $0x9000004F  }
0x38: {  	s29 =	simm.s32 $0xA;
	_ =	strace $0x80000051  }
0x39: {  	_ =	swait.ge [sflag:s29], $0x1  }
0x3a: {  	[sflag:s29] =	ssyncadd.s32 $0xFFFFFFFF  }
0x3b: {  	_ =	strace $0x90000051  }
0x3c: {  	_ =	sfence  }
0x3d: {  	s30 =	sld [smem:$0x0];
	_ =	sdelay $0x2  }
0x3e: {  	s31 =	sshll.u32 s1, $0xD;
	s1 =	sshrl.u32 s1, $0x2  }
0x3f: {  	s4 =	sand.u32 $0x4000, s31;
	s1 =	sadd.s32 s1, s30  }
0x40: {  	s0 =	sor.u32 s4, s0;
	s1 =	sshll.u32 s1, $0x11  }
0x41: {  	s0 =	sor.u32 s1, s0  }
0x42: {  	s0 =	sadd.s32 $0x8F2B, s0  }
0x43: {  	[sflag:s0] =	ssyncadd.remote.s32 $0x1  }
0x44: {  	_ =	sfence.sel $0xFFFF  }
0x45: {  	[dreg:$0x0] =	wrdreg $0xFFFFFFFF;
	(pc) =	sbr.abs _section_cstart, $3  }
0x46: {  	[dreg:$0x1] =	wrdreg $0xFFFFFFFF  }
0x47: {  	_ =	task.clear_ibuf [dreg:s23], $0x2FFFF;
	_ =	strace $0x9FFFFFFF  }
0x48: {  	(tm) =	ssettm $0x7FFFFFFF  }
0x49: {  	_ =	shalt  }
tec
execute0_lowered:
.L_overlay_start_1:
0x0: {  	(tag) =	ssettag $0x1  }
0x1: {  	s0 =	stileid.u32;
	s1 =	srdreg.scid  }
0x2: {  	s4 =	rddreg [dreg:$0x0];
	s7 =	simm.s32 $0x1;
	s31 =	simm.s32 $0x2  }
0x3: {  	s16 =	simm.s32 $0x0;
	s2 =	sshll.u32 s0, $0x5;
	s1 =	sshll.u32 s1, $0x9  }
0x4: {  	s9 =	simm.s32 $0x4000;
	s14 =	simm.s32 $0x0;
	s1 =	sor.u32 s2, s1  }
0x5: {  	s15 =	simm.s32 $0x0;
	s10 =	simm.s32 $0x0;
	s2 =	sand.u32 $0x380, s1  }
0x6: {  	s13 =	simm.s32 $0x0;
	s3 =	sadd.s32 $0xE00000, s4;
	s5 =	ssub.s32 $0x800, s2  }
0x7: {  	s4 =	sadd.s32 $0x200000, s4;
	s1 =	rddreg [dreg:$0x1];
	s6 =	sand.u32 $0x380, s5  }
.Ltmp0:
0x8: {  	_ =	strace $0x80000050;
	p0 =	sne.s32 s6, $0x0;
	(pc) =	sbr.rel .LBB1_1-.Ltmp0, $4  }
0x9: {  	s11 =	smov.u32 s2;
	s8 =	sshrl.u32 s5, $0xA;
	s7 =	simm.s32 @!p0 $0x0  }
0xa: {  	s5 =	sand.u32 $0x3, s0;
	s6 =	simm.s32 $0x1;
	s7 =	sadd.s32 s7, s8  }
0xb: {  	s12 =	smov.u32 s5;
	[sflag:s6] =	ssyncpa.u1 $0x0;
	s7 =	sshll.u32 s7, $0x4  }
0xc: {  	p0 =	por $0x0, $0x0;
	[sflag:s31] =	ssyncpa.u1 $0x0;
	s8 =	sor.u32 $0x1, s7  }
.LBB1_4:
0xd: {  	v5 =	vld [tilespmem:s19+$0xFFFFFFD0]  }
0xe: {  	[tilespmem:s20+$0x2040 ss:$0x81] =	vst.msk $0xffff, v1;
	v58 =	vld [tilespmem:s19+$0xFFFFFFE0]  }
0xf: {  	[tilespmem:s20+$0x2850 ss:$0x81] =	vst.msk $0xffff, v2;
	v59 =	vld [tilespmem:s19+$0xFFFFFFF0]  }
0x10: {  	s21 =	sshra.s32 s21, $0x2;
	[tilespmem:s20+$0x3060 ss:$0x81] =	vst.msk $0xffff, v3;
	v60 =	vld [tilespmem:s19+$0x0]  }
0x11: {  	[tilespmem:s20+$0x0 ss:$0x81] =	vst.msk $0xffff, v0;
	v61 =	vld [tilespmem:s19+$0x10];
	s18 =	sadd.s32 s21, s18  }
0x12: {  	s26 =	sshll.u32 s16, $0xB;
	v62 =	vld [tilespmem:s19+$0x20];
	[tilespmem:s18+$0x3870 ss:$0x81] =	vst.msk $0xffff, v4  }
0x13: {  	s27 =	sand.u32 $0x78, s14;
	s22 =	sshll.u32 s14, $0x3;
	v63 =	vld [tilespmem:s19+$0xFFFFFFC0];
	s29 =	sshll.u32 s16, $0x7;
	[tilespmem:s18+$0x810 ss:$0x81] =	vst.msk $0xffff, v5  }
0x14: {  	s15 =	sshll.u32 s15, $0x13;
	s20 =	sand.u32 $0x3FC000, s26;
	s28 =	sand.u32 $0x3FFC00, s22;
	[tilespmem:s18+$0x1020 ss:$0x81] =	vst.msk $0xffff, v58  }
0x15: {  	s31 =	sand.u32 $0x7, s14;
	s22 =	sand.u32 $0x400, s22;
	s19 =	sadd.s32 s28, s20;
	[tilespmem:s18+$0x1830 ss:$0x81] =	vst.msk $0xffff, v59  }
0x16: {  	s16 =	sand.u32 $0x380, s29;
	s30 =	sor.u32 s27, s22;
	s19 =	sshrl.u32 s19, $0x3;
	[tilespmem:s18+$0x2040 ss:$0x81] =	vst.msk $0xffff, v60  }
0x17: {  	s15 =	sadd.s32 s4, s15;
	s16 =	sor.u32 s16, s30;
	s19 =	sand.u32 $0x7FF00, s19;
	[tilespmem:s18+$0x2850 ss:$0x81] =	vst.msk $0xffff, v61  }
0x18: {  	s14 =	sshll.u32 s31, $0x12;
	s16 =	sshrl.u32 s16, $0x3;
	[tilespmem:s18+$0x3060 ss:$0x81] =	vst.msk $0xffff, v62;
	s15 =	sadd.s32 s19, s15  }
0x19: {  	s14 =	sor.u32 $0x400, s14;
	[tilespmem:s18+$0x0 ss:$0x81] =	vst.msk $0xffff, v63;
	s15 =	sadd.s32 s16, s15  }
0x1a: {  	[hbm4b:s15+s14] =	stream.strided.scatter [tilespmem:s17], [sflag:$0x2], $0x4000, s9, s14, $0x20;
	[tilespmem:$0x10100] =	vst v63  }
.LBB1_5:
0x1b: {  	s17 =	sadd.s32 $0x80, s10  }
0x1c: {  	s14 =	sadd.s32 $0x400, s11;
	s18 =	smov.u32 s11;
	p2 =	sgt.s32 s17, $0x7FF  }
0x1d: {  	s18 =	smov.u32 @p2 s14  }
0x1e: {  	s20 =	smov.u32 s12;
	s14 =	sadd.s32 $0x4, s12;
	p3 =	sgt.s32 s18, $0x7FF  }
0x1f: {  	s20 =	smov.u32 @p3 s14  }
0x20: {  	s17 =	simm.s32 @p2 $0x0;
	p2 =	sgt.s32 s20, $0x3  }
0x21: {  	p1 =	slt.u32 s13, $0x2;
	s20 =	smov.u32 @p2 s5;
	p2 =	sne.s32 s13, s8  }
.Ltmp1:
0x22: {  	s19 =	simm.s32 @!p1 $0x2;
	(pc) =	sbr.rel @!p2 .LBB1_6-.Ltmp1, $4  }
0x23: {  	s16 =	smov.u32 s10;
	s15 =	smov.u32 s12;
	_ =	swait.ge @!p1 [sflag:s19], $0x4000  }
0x24: {  	p0 =	por !p0, !p0;
	[sflag:s19] =	ssyncset.done @!p1 $0x0;
	s10 =	smov.u32 s17  }
0x25: {  	s18 =	smov.u32 @p3 s2;
	s14 =	smov.u32 s11;
	[sflag:s19] =	ssyncadd.s32 @!p1 $0xFFFFC000  }
0x26: {  	s11 =	smov.u32 s18;
	s13 =	sadd.s32 $0x1, s13;
	s12 =	smov.u32 s20  }
.LBB1_1:
0x27: {  	p1 =	sge.u32 s13, s7;
	s31 =	sadd.s32 $0xFFFFFFFF, s13  }
0x28: {  	s17 =	sxor.u32 @!p1 $0xFFFFFFFF, s13;
	s18 =	sand.u32 @!p1 $0x78, s10;
	s19 =	sshll.u32 @!p1 s11, $0xB  }
0x29: {  	s20 =	sshll.u32 @!p1 s11, $0x7;
	s21 =	sshll.u32 @!p1 s10, $0x3;
	s17 =	sshll.u32 @!p1 s17, $0xE  }
0x2a: {  	s19 =	sand.u32 @!p1 $0x3FC000, s19;
	s20 =	sand.u32 @!p1 $0x380, s20;
	s17 =	sand.u32 @!p1 $0x4000, s17  }
0x2b: {  	s19 =	sadd.s32 @!p1 s19, s21;
	s21 =	sand.u32 @!p1 $0x400, s21;
	s18 =	sor.u32 @!p1 s20, s18  }
0x2c: {  	s20 =	sshll.u32 @!p1 s12, $0x13;
	s18 =	sor.u32 @!p1 s21, s18;
	s19 =	sshrl.u32 @!p1 s19, $0x3  }
0x2d: {  	s20 =	sadd.s32 @!p1 s3, s20;
	s21 =	sand.u32 @!p1 $0x7, s10;
	s19 =	sand.u32 @!p1 $0x7FF00, s19  }
0x2e: {  	s18 =	sshrl.u32 @!p1 s18, $0x3;
	s19 =	sadd.s32 @!p1 s19, s20;
	s20 =	sshll.u32 @!p1 s21, $0x12  }
0x2f: {  	s18 =	sadd.s32 @!p1 s18, s19;
	s19 =	sor.u32 @!p1 $0x400, s20;
	s20 =	simm.s32 @!p1 $0x4000  }
0x30: {  	[tilespmem:s17], [sflag:$0x1] =	stream.strided.gather @!p1 [hbm4b:s18+s19], $0x4000, s20, s19, $0x38;
	[tilespmem:$0x10100] =	vst v63  }
0x31: {  	p1 =	sge.u32 s31, s7  }
.Ltmp2:
0x32: {  	_ = 	snop;
	(pc) =	sbr.rel @p1 .LBB1_5-.Ltmp2, $1  }
0x33: {  	_ =	sdelay $0x3  }
0x34: {  	s17 =	simm.s32 $0x1  }
0x35: {  	_ =	swait.ge [sflag:s6], $0x4000;
	s17 =	simm.s32 @!p0 $0x0  }
0x36: {  	[sflag:s6] =	ssyncset.done $0x0;
	s18 =	sshll.u32 s17, $0xE  }
0x37: {  	[sflag:s6] =	ssyncadd.s32 $0xFFFFC000;
	s19 =	sor.u32 $0x40, s18  }
0x38: {  	s17 =	smul.u32 $0x10200, s17;
	v0 =	vld [tilespmem:s19+$0x30]  }
0x39: {  	v3 =	vld [tilespmem:s19+$0xFFFFFFD0]  }
0x3a: {  	s17 =	sshrl.u32 s17, $0x2;
	v4 =	vld [tilespmem:s19+$0xFFFFFFE0]  }
0x3b: {  	v5 =	vld [tilespmem:s19+$0xFFFFFFF0];
	s18 =	sor.u32 $0x8000, s17  }
0x3c: {  	s31 =	sand.u32 $0x1, s13;
	v1 =	vld [tilespmem:s19+$0x0];
	s20 =	sadd.s32 $0x0, s18  }
0x3d: {  	v2 =	vld [tilespmem:s19+$0x10];
	s17 =	smul.u32 $0x10200, s31;
	[tilespmem:s20+$0x3870 ss:$0x81] =	vst.msk $0xffff, v0  }
0x3e: {  	[tilespmem:s20+$0x810 ss:$0x81] =	vst.msk $0xffff, v3;
	v3 =	vld [tilespmem:s19+$0x20]  }
0x3f: {  	s17 =	sshrl.u32 s17, $0x2;
	v0 =	vld [tilespmem:s19+$0xFFFFFFC0];
	[tilespmem:s20+$0x1020 ss:$0x81] =	vst.msk $0xffff, v4;
	s19 =	sadd.s32 $0x80, s19  }
0x40: {  	s21 =	simm.s32 $0x4;
	s22 =	simm.s32 $0x8;
	s17 =	sor.u32 $0x8000, s17;
	[tilespmem:s20+$0x1830 ss:$0x81] =	vst.msk $0xffff, v5;
	v4 =	vld [tilespmem:s19+$0x30]  }
.LBB1_3:
0x41: {  	p1 =	sne.s32 s22, $0x1FC;
	v5 =	vld [tilespmem:s19+$0xFFFFFFD0];
	[tilespmem:s20+$0x2040 ss:$0x81] =	vst.msk $0xffff, v1  }
0x42: {  	v6 =	vld [tilespmem:s19+$0xFFFFFFE0];
	[tilespmem:s20+$0x2850 ss:$0x81] =	vst.msk $0xffff, v2  }
0x43: {  	s23 =	sshra.s32 s21, $0x2;
	s21 =	smov.u32 s22;
	v7 =	vld [tilespmem:s19+$0xFFFFFFF0];
	[tilespmem:s20+$0x3060 ss:$0x81] =	vst.msk $0xffff, v3  }
.Ltmp3:
0x44: {  	v1 =	vld [tilespmem:s19+$0x0];
	[tilespmem:s20+$0x0 ss:$0x81] =	vst.msk $0xffff, v0;
	s20 =	sadd.s32 s23, s18;
	(pc) =	sbr.rel @p1 .LBB1_3-.Ltmp3, $4  }
0x45: {  	v2 =	vld [tilespmem:s19+$0x10];
	[tilespmem:s20+$0x3870 ss:$0x81] =	vst.msk $0xffff, v4  }
0x46: {  	[tilespmem:s20+$0x810 ss:$0x81] =	vst.msk $0xffff, v5;
	v3 =	vld [tilespmem:s19+$0x20]  }
0x47: {  	v0 =	vld [tilespmem:s19+$0xFFFFFFC0];
	[tilespmem:s20+$0x1020 ss:$0x81] =	vst.msk $0xffff, v6;
	s19 =	sadd.s32 $0x80, s19  }
0x48: {  	s22 =	sadd.s32 $0x4, s22;
	v4 =	vld [tilespmem:s19+$0x30];
	[tilespmem:s20+$0x1830 ss:$0x81] =	vst.msk $0xffff, v7  }
.Ltmp4:
0x49: {  	_ = 	snop;
	(pc) =	sbr.rel .LBB1_4-.Ltmp4, $1  }
0x4a: {  	_ =	sdelay $0x3  }
.LBB1_6:
0x4b: {  	_ =	sfence.sel $0x180000  }
0x4c: {  	s2 =	simm.s32 $0x1;
	[bflag:$0x0] =	sbarrier.arrive $0xFFFF  }
0x4d: {  	s31 =	simm.s32 $0x2;
	[sflag:s2] =	ssyncpa.u1 $0x1  }
0x4e: {  	[sflag:s31] =	ssyncpa.u1 $0x1  }
0x4f: {  	p0 =	sne.s32 s0, $0x0;
	_ =	strace $0x90000050  }
0x50: {  	s0 =	sadd.s32 @!p0 $0x100000, s1;
	[bflag:$0x2] =	sbarrier.arrive $0xFFFF  }
0x51: {  	[sflag:s0] =	ssyncadd.tile.s32 @!p0 $0x1;
	_ =	shalt  }
.Lfunc_end1:
_tile_overlayer_lowered:
.L_overlay_start_2:
0x52: {  	(tag) =	ssettag $0x2  }
0x53: {  	s0 =	rddreg [dreg:$0x0];
	s2 =	stileid.u32  }
0x54: {  	s1 =	rddreg [dreg:$0x1];
	p0 =	sne.s32 s2, $0x0  }
0x55: {  	s3 =	rddreg [dreg:$0x2];
	[bflag:$0x3] =	sbarrier.arrive $0xFFFF;
	s2 =	simm.s32 @!p0 $0x1C01  }
0x56: {  	[timem:s3], [sflag:s2] =	dma.local @!p0 [hbm:s0], s1  }
0x57: {  	s0 =	simm.s32 @!p0 $0x1  }
0x58: {  	_ =	swait.ge @!p0 [sflag:s0], s1  }
0x59: {  	s1 =	ssub.s32 @!p0 $0x0, s1;
	[sflag:s0] =	ssyncset.done @!p0 $0x0  }
0x5a: {  	[sflag:s0] =	ssyncadd.s32 @!p0 s1  }
0x5b: {  	[bflag:$0x3] =	sbarrier.arrive $0xFFFF  }
0x5c: {  	_ =	shalt  }

// kernel: sparse-core-data-format-call.2.cloned.1.call-start
scs
called_computation.2_lowered:
.L_overlay_start_0:
0x0: {  	s2 =	sld [smem:$0x3FD9]  }
0x1: {  	s3 =	sld [smem:$0x3FFE];
	_ =	sdelay $0x1  }
0x2: {  	s1 =	srdreg.scid  }
0x3: {  	s0 =	sand.u32 $0x1, s1  }
0x4: {  	s18 =	sshll.u32 s0, $0xA;
	s2 =	sadd.s32 s3, s2  }
0x5: {  	s2 =	sadd.s32 s2, s18  }
0x6: {  	[smem:$0x3FC3] =	sst s2  }
0x7: {  	_ = 	snop  }
0x8: {  	(tm) =	ssettm $0x1  }
0x9: {  	s19 =	sld [smem:$0x3FFB];
	_ =	sdelay $0x3  }
0xa: {  	_ =	strace s19  }
0xb: {  	s2 =	sld [smem:$0x3FFC];
	_ =	sdelay $0x3  }
0xc: {  	_ =	strace s2  }
0xd: {  	s2 =	sld [smem:$0x3FFD];
	_ =	sdelay $0x3  }
0xe: {  	_ =	strace s2  }
0xf: {  	_ =	strace $0x8FFFFFFF  }
0x10: {  	s20 =	sld [smem:$0x3FDB];
	_ =	sdelay $0x1  }
0x11: {  	s21 =	simm.s32 $_scs_section_size  }
0x12: {  	s4 =	simm.s32 $_size__tile_overlayer_lowered;
	s5 =	simm.s32 $_tile_overlayer_lowered  }
0x13: {  	s6 =	simm.s32 $0x1BFF;
	s22 =	sshll.u32 s5, $0x1;
	s3 =	sadd.s32 s21, s20  }
0x14: {  	s23 =	simm.s32 $0x0;
	s4 =	sshll.u32 s4, $0x1;
	s5 =	sadd.s32 s22, s3  }
0x15: {  	[timem:s23], [sflag:s6] =	dma.local [hbm:s5], s4  }
0x16: {  	_ =	swait.ge [sflag:s6], s4  }
0x17: {  	s4 =	ssub.s32 $0x0, s4;
	[sflag:s6] =	ssyncset.done $0x0  }
0x18: {  	[sflag:s6] =	ssyncadd.s32 s4;
	_ =	sdelay $0x1  }
0x19: {  	s24 =	simm.s32 $0x1B8B  }
0x1a: {  	_ =	swait.ge [sflag:s24], $0x1  }
0x1b: {  	[sflag:s24] =	ssyncset.done $0x0  }
0x1c: {  	[sflag:s24] =	ssyncadd.s32 $0xFFFFFFFF  }
0x1d: {  	s4 =	sld [smem:$0x0]  }
0x1e: {  	s5 =	sand.u32 $0xFFFFFFFE, s1  }
0x1f: {  	p0 =	sne.s32 s1, s5  }
0x20: {  	s5 =	sshll.u32 @p0 s5, $0xE  }
0x21: {  	s5 =	sadd.s32 @p0 $0x11B8D, s5;
	s6 =	sshll.u32 @p0 s4, $0x11  }
0x22: {  	s5 =	sor.u32 @p0 s6, s5  }
0x23: {  	[sflag:s5] =	ssyncadd.remote.s32 @p0 $0x1;
	_ =	sdelay $0x1  }
0x24: {  	s5 =	simm.s32 @p0 $0x1B8D  }
0x25: {  	_ =	swait.eq @p0 [sflag:s5], $0x1  }
0x26: {  	[sflag:s5] =	ssyncadd.s32 @p0 $0xFFFFFFFF  }
0x27: {  	s6 =	sshll.u32 @!p0 s1, $0xE  }
0x28: {  	s6 =	sor.u32 @!p0 $0x4000, s6;
	s5 =	simm.s32 @!p0 $0x1B8D  }
0x29: {  	s4 =	sshll.u32 @!p0 s4, $0x11;
	s6 =	sadd.s32 @!p0 $0x11B8D, s6;
	_ =	swait.eq @!p0 [sflag:s5], $0x1  }
0x2a: {  	s4 =	sor.u32 @!p0 s4, s6;
	[sflag:s5] =	ssyncadd.s32 @!p0 $0xFFFFFFFF  }
0x2b: {  	s26 =	simm.s32 $0x1B8E;
	s25 =	sld [smem:$0x3FFE];
	[sflag:s4] =	ssyncadd.remote.s32 @!p0 $0x1  }
0x2c: {  	s27 =	simm.s32 $execute0_lowered;
	[smem:$0x3FD2] =	sst s26  }
0x2d: {  	s5 =	sshll.u32 s27, $0x1;
	_ =	strace $0x8000004C;
	[dreg:$0x1] =	wrdreg $0xFFFFFFFF  }
0x2e: {  	s28 =	simm.s32 $_size_execute0_lowered;
	s3 =	sadd.s32 s3, s5;
	[dreg:$0x0] =	wrdreg $0x0  }
0x2f: {  	s5 =	sshll.u32 s28, $0x1;
	[dreg:$0x2] =	wrdreg s3  }
0x30: {  	[dreg:$0x3] =	wrdreg s5  }
0x31: {  	[dreg:$0x4] =	wrdreg $0xC0  }
0x32: {  	_ =	task [dreg:s23], $0x5FFFF  }
0x33: {  	[dreg:$0x1] =	wrdreg $0xFFFFFFFF  }
0x34: {  	[dreg:$0x0] =	wrdreg $0x60  }
0x35: {  	[dreg:$0x2] =	wrdreg s25  }
0x36: {  	[dreg:$0x3] =	wrdreg $0xB  }
0x37: {  	_ =	task.clear_ibuf [dreg:s23], $0x4FFFF;
	_ =	strace $0x9000004C  }
0x38: {  	s29 =	simm.s32 $0xB;
	_ =	strace $0x8000004E  }
0x39: {  	_ =	swait.ge [sflag:s29], $0x1  }
0x3a: {  	[sflag:s29] =	ssyncadd.s32 $0xFFFFFFFF  }
0x3b: {  	_ =	strace $0x9000004E  }
0x3c: {  	_ =	sfence  }
0x3d: {  	s30 =	sld [smem:$0x0];
	_ =	sdelay $0x2  }
0x3e: {  	s31 =	sshll.u32 s1, $0xD;
	s1 =	sshrl.u32 s1, $0x2  }
0x3f: {  	s4 =	sand.u32 $0x4000, s31;
	s1 =	sadd.s32 s1, s30  }
0x40: {  	s0 =	sor.u32 s4, s0;
	s1 =	sshll.u32 s1, $0x11  }
0x41: {  	s0 =	sor.u32 s1, s0  }
0x42: {  	s0 =	sadd.s32 $0x8F2B, s0  }
0x43: {  	[sflag:s0] =	ssyncadd.remote.s32 $0x1  }
0x44: {  	_ =	sfence.sel $0xFFFF  }
0x45: {  	[dreg:$0x0] =	wrdreg $0xFFFFFFFF;
	(pc) =	sbr.abs _section_cstart, $3  }
0x46: {  	[dreg:$0x1] =	wrdreg $0xFFFFFFFF  }
0x47: {  	_ =	task.clear_ibuf [dreg:s23], $0x2FFFF;
	_ =	strace $0x9FFFFFFF  }
0x48: {  	(tm) =	ssettm $0x7FFFFFFF  }
0x49: {  	_ =	shalt  }
tec
execute0_lowered:
.L_overlay_start_1:
0x0: {  	(tag) =	ssettag $0x1  }
0x1: {  	s0 =	stileid.u32  }
0x2: {  	s1 =	srdreg.scid;
	s3 =	rddreg [dreg:$0x0];
	s7 =	simm.s32 $0x1  }
0x3: {  	s6 =	simm.s32 $0x1;
	s2 =	sshll.u32 s0, $0x5;
	s1 =	sshll.u32 s1, $0x9  }
0x4: {  	s31 =	simm.s32 $0x2;
	s16 =	simm.s32 $0x0;
	s1 =	sor.u32 s2, s1  }
0x5: {  	s9 =	simm.s32 $0x4000;
	s14 =	simm.s32 $0x0;
	s2 =	sand.u32 $0x380, s1  }
0x6: {  	s15 =	simm.s32 $0x0;
	s10 =	simm.s32 $0x0;
	s5 =	ssub.s32 $0x800, s2  }
0x7: {  	s13 =	simm.s32 $0x0;
	s1 =	rddreg [dreg:$0x1];
	s4 =	sand.u32 $0x380, s5  }
.Ltmp0:
0x8: {  	_ =	strace $0x8000004D;
	p0 =	sne.s32 s4, $0x0;
	(pc) =	sbr.rel .LBB1_1-.Ltmp0, $4  }
0x9: {  	[sflag:s6] =	ssyncpa.u1 $0x0;
	s8 =	sshrl.u32 s5, $0xA;
	s7 =	simm.s32 @!p0 $0x0  }
0xa: {  	s11 =	smov.u32 s2;
	s5 =	sand.u32 $0x3, s0;
	s7 =	sadd.s32 s7, s8  }
0xb: {  	[sflag:s31] =	ssyncpa.u1 $0x0;
	s4 =	sadd.s32 $0xC00000, s3;
	s7 =	sshll.u32 s7, $0x4  }
0xc: {  	s12 =	smov.u32 s5;
	p0 =	por $0x0, $0x0;
	s8 =	sor.u32 $0x1, s7  }
.LBB1_4:
0xd: {  	v5 =	vld [tilespmem:s19+$0xFFFFFFD0]  }
0xe: {  	[tilespmem:s20+$0x2040 ss:$0x81] =	vst.msk $0xffff, v1;
	v58 =	vld [tilespmem:s19+$0xFFFFFFE0]  }
0xf: {  	[tilespmem:s20+$0x2850 ss:$0x81] =	vst.msk $0xffff, v2;
	v59 =	vld [tilespmem:s19+$0xFFFFFFF0]  }
0x10: {  	s21 =	sshra.s32 s21, $0x2;
	[tilespmem:s20+$0x3060 ss:$0x81] =	vst.msk $0xffff, v3;
	v60 =	vld [tilespmem:s19+$0x0]  }
0x11: {  	[tilespmem:s20+$0x0 ss:$0x81] =	vst.msk $0xffff, v0;
	v61 =	vld [tilespmem:s19+$0x10];
	s18 =	sadd.s32 s21, s18  }
0x12: {  	s26 =	sshll.u32 s16, $0xB;
	v62 =	vld [tilespmem:s19+$0x20];
	[tilespmem:s18+$0x3870 ss:$0x81] =	vst.msk $0xffff, v4  }
0x13: {  	s27 =	sand.u32 $0x78, s14;
	s22 =	sshll.u32 s14, $0x3;
	v63 =	vld [tilespmem:s19+$0xFFFFFFC0];
	s29 =	sshll.u32 s16, $0x7;
	[tilespmem:s18+$0x810 ss:$0x81] =	vst.msk $0xffff, v5  }
0x14: {  	s15 =	sshll.u32 s15, $0x13;
	s20 =	sand.u32 $0x3FC000, s26;
	s28 =	sand.u32 $0x3FFC00, s22;
	[tilespmem:s18+$0x1020 ss:$0x81] =	vst.msk $0xffff, v58  }
0x15: {  	s31 =	sand.u32 $0x7, s14;
	s22 =	sand.u32 $0x400, s22;
	s19 =	sadd.s32 s28, s20;
	[tilespmem:s18+$0x1830 ss:$0x81] =	vst.msk $0xffff, v59  }
0x16: {  	s16 =	sand.u32 $0x380, s29;
	s30 =	sor.u32 s27, s22;
	s19 =	sshrl.u32 s19, $0x3;
	[tilespmem:s18+$0x2040 ss:$0x81] =	vst.msk $0xffff, v60  }
0x17: {  	s15 =	sadd.s32 s3, s15;
	s16 =	sor.u32 s16, s30;
	s19 =	sand.u32 $0x7FF00, s19;
	[tilespmem:s18+$0x2850 ss:$0x81] =	vst.msk $0xffff, v61  }
0x18: {  	s14 =	sshll.u32 s31, $0x12;
	s16 =	sshrl.u32 s16, $0x3;
	[tilespmem:s18+$0x3060 ss:$0x81] =	vst.msk $0xffff, v62;
	s15 =	sadd.s32 s19, s15  }
0x19: {  	s14 =	sor.u32 $0x400, s14;
	[tilespmem:s18+$0x0 ss:$0x81] =	vst.msk $0xffff, v63;
	s15 =	sadd.s32 s16, s15  }
0x1a: {  	[hbm4b:s15+s14] =	stream.strided.scatter [tilespmem:s17], [sflag:$0x2], $0x4000, s9, s14, $0x20;
	[tilespmem:$0x10100] =	vst v63  }
.LBB1_5:
0x1b: {  	s17 =	sadd.s32 $0x80, s10  }
0x1c: {  	s14 =	sadd.s32 $0x400, s11;
	s18 =	smov.u32 s11;
	p2 =	sgt.s32 s17, $0x7FF  }
0x1d: {  	s18 =	smov.u32 @p2 s14  }
0x1e: {  	s20 =	smov.u32 s12;
	s14 =	sadd.s32 $0x4, s12;
	p3 =	sgt.s32 s18, $0x7FF  }
0x1f: {  	s20 =	smov.u32 @p3 s14  }
0x20: {  	s17 =	simm.s32 @p2 $0x0;
	p2 =	sgt.s32 s20, $0x3  }
0x21: {  	p1 =	slt.u32 s13, $0x2;
	s20 =	smov.u32 @p2 s5;
	p2 =	sne.s32 s13, s8  }
.Ltmp1:
0x22: {  	s19 =	simm.s32 @!p1 $0x2;
	(pc) =	sbr.rel @!p2 .LBB1_6-.Ltmp1, $4  }
0x23: {  	s16 =	smov.u32 s10;
	s15 =	smov.u32 s12;
	_ =	swait.ge @!p1 [sflag:s19], $0x4000  }
0x24: {  	p0 =	por !p0, !p0;
	[sflag:s19] =	ssyncset.done @!p1 $0x0;
	s10 =	smov.u32 s17  }
0x25: {  	s18 =	smov.u32 @p3 s2;
	s14 =	smov.u32 s11;
	[sflag:s19] =	ssyncadd.s32 @!p1 $0xFFFFC000  }
0x26: {  	s11 =	smov.u32 s18;
	s13 =	sadd.s32 $0x1, s13;
	s12 =	smov.u32 s20  }
.LBB1_1:
0x27: {  	p1 =	sge.u32 s13, s7;
	s31 =	sadd.s32 $0xFFFFFFFF, s13  }
0x28: {  	s17 =	sxor.u32 @!p1 $0xFFFFFFFF, s13;
	s18 =	sand.u32 @!p1 $0x78, s10;
	s19 =	sshll.u32 @!p1 s11, $0xB  }
0x29: {  	s20 =	sshll.u32 @!p1 s11, $0x7;
	s21 =	sshll.u32 @!p1 s10, $0x3;
	s17 =	sshll.u32 @!p1 s17, $0xE  }
0x2a: {  	s19 =	sand.u32 @!p1 $0x3FC000, s19;
	s20 =	sand.u32 @!p1 $0x380, s20;
	s17 =	sand.u32 @!p1 $0x4000, s17  }
0x2b: {  	s19 =	sadd.s32 @!p1 s19, s21;
	s21 =	sand.u32 @!p1 $0x400, s21;
	s18 =	sor.u32 @!p1 s20, s18  }
0x2c: {  	s20 =	sshll.u32 @!p1 s12, $0x13;
	s18 =	sor.u32 @!p1 s21, s18;
	s19 =	sshrl.u32 @!p1 s19, $0x3  }
0x2d: {  	s20 =	sadd.s32 @!p1 s4, s20;
	s21 =	sand.u32 @!p1 $0x7, s10;
	s19 =	sand.u32 @!p1 $0x7FF00, s19  }
0x2e: {  	s18 =	sshrl.u32 @!p1 s18, $0x3;
	s19 =	sadd.s32 @!p1 s19, s20;
	s20 =	sshll.u32 @!p1 s21, $0x12  }
0x2f: {  	s18 =	sadd.s32 @!p1 s18, s19;
	s19 =	sor.u32 @!p1 $0x400, s20;
	s20 =	simm.s32 @!p1 $0x4000  }
0x30: {  	[tilespmem:s17], [sflag:$0x1] =	stream.strided.gather @!p1 [hbm4b:s18+s19], $0x4000, s20, s19, $0x38;
	[tilespmem:$0x10100] =	vst v63  }
0x31: {  	p1 =	sge.u32 s31, s7  }
.Ltmp2:
0x32: {  	_ = 	snop;
	(pc) =	sbr.rel @p1 .LBB1_5-.Ltmp2, $1  }
0x33: {  	_ =	sdelay $0x3  }
0x34: {  	s17 =	simm.s32 $0x1  }
0x35: {  	_ =	swait.ge [sflag:s6], $0x4000;
	s17 =	simm.s32 @!p0 $0x0  }
0x36: {  	[sflag:s6] =	ssyncset.done $0x0;
	s18 =	sshll.u32 s17, $0xE  }
0x37: {  	[sflag:s6] =	ssyncadd.s32 $0xFFFFC000;
	s19 =	sor.u32 $0x40, s18  }
0x38: {  	s17 =	smul.u32 $0x10200, s17;
	v0 =	vld [tilespmem:s19+$0x30]  }
0x39: {  	v3 =	vld [tilespmem:s19+$0xFFFFFFD0]  }
0x3a: {  	s17 =	sshrl.u32 s17, $0x2;
	v4 =	vld [tilespmem:s19+$0xFFFFFFE0]  }
0x3b: {  	v5 =	vld [tilespmem:s19+$0xFFFFFFF0];
	s18 =	sor.u32 $0x8000, s17  }
0x3c: {  	s31 =	sand.u32 $0x1, s13;
	v1 =	vld [tilespmem:s19+$0x0];
	s20 =	sadd.s32 $0x0, s18  }
0x3d: {  	v2 =	vld [tilespmem:s19+$0x10];
	s17 =	smul.u32 $0x10200, s31;
	[tilespmem:s20+$0x3870 ss:$0x81] =	vst.msk $0xffff, v0  }
0x3e: {  	[tilespmem:s20+$0x810 ss:$0x81] =	vst.msk $0xffff, v3;
	v3 =	vld [tilespmem:s19+$0x20]  }
0x3f: {  	s17 =	sshrl.u32 s17, $0x2;
	v0 =	vld [tilespmem:s19+$0xFFFFFFC0];
	[tilespmem:s20+$0x1020 ss:$0x81] =	vst.msk $0xffff, v4;
	s19 =	sadd.s32 $0x80, s19  }
0x40: {  	s21 =	simm.s32 $0x4;
	s22 =	simm.s32 $0x8;
	s17 =	sor.u32 $0x8000, s17;
	[tilespmem:s20+$0x1830 ss:$0x81] =	vst.msk $0xffff, v5;
	v4 =	vld [tilespmem:s19+$0x30]  }
.LBB1_3:
0x41: {  	p1 =	sne.s32 s22, $0x1FC;
	v5 =	vld [tilespmem:s19+$0xFFFFFFD0];
	[tilespmem:s20+$0x2040 ss:$0x81] =	vst.msk $0xffff, v1  }
0x42: {  	v6 =	vld [tilespmem:s19+$0xFFFFFFE0];
	[tilespmem:s20+$0x2850 ss:$0x81] =	vst.msk $0xffff, v2  }
0x43: {  	s23 =	sshra.s32 s21, $0x2;
	s21 =	smov.u32 s22;
	v7 =	vld [tilespmem:s19+$0xFFFFFFF0];
	[tilespmem:s20+$0x3060 ss:$0x81] =	vst.msk $0xffff, v3  }
.Ltmp3:
0x44: {  	v1 =	vld [tilespmem:s19+$0x0];
	[tilespmem:s20+$0x0 ss:$0x81] =	vst.msk $0xffff, v0;
	s20 =	sadd.s32 s23, s18;
	(pc) =	sbr.rel @p1 .LBB1_3-.Ltmp3, $4  }
0x45: {  	v2 =	vld [tilespmem:s19+$0x10];
	[tilespmem:s20+$0x3870 ss:$0x81] =	vst.msk $0xffff, v4  }
0x46: {  	[tilespmem:s20+$0x810 ss:$0x81] =	vst.msk $0xffff, v5;
	v3 =	vld [tilespmem:s19+$0x20]  }
0x47: {  	v0 =	vld [tilespmem:s19+$0xFFFFFFC0];
	[tilespmem:s20+$0x1020 ss:$0x81] =	vst.msk $0xffff, v6;
	s19 =	sadd.s32 $0x80, s19  }
0x48: {  	s22 =	sadd.s32 $0x4, s22;
	v4 =	vld [tilespmem:s19+$0x30];
	[tilespmem:s20+$0x1830 ss:$0x81] =	vst.msk $0xffff, v7  }
.Ltmp4:
0x49: {  	_ = 	snop;
	(pc) =	sbr.rel .LBB1_4-.Ltmp4, $1  }
0x4a: {  	_ =	sdelay $0x3  }
.LBB1_6:
0x4b: {  	_ =	sfence.sel $0x180000  }
0x4c: {  	s2 =	simm.s32 $0x1;
	[bflag:$0x0] =	sbarrier.arrive $0xFFFF  }
0x4d: {  	s31 =	simm.s32 $0x2;
	[sflag:s2] =	ssyncpa.u1 $0x1  }
0x4e: {  	[sflag:s31] =	ssyncpa.u1 $0x1  }
0x4f: {  	p0 =	sne.s32 s0, $0x0;
	_ =	strace $0x9000004D  }
0x50: {  	s0 =	sadd.s32 @!p0 $0x100000, s1;
	[bflag:$0x2] =	sbarrier.arrive $0xFFFF  }
0x51: {  	[sflag:s0] =	ssyncadd.tile.s32 @!p0 $0x1;
	_ =	shalt  }
.Lfunc_end1:
_tile_overlayer_lowered:
.L_overlay_start_2:
0x52: {  	(tag) =	ssettag $0x2  }
0x53: {  	s0 =	rddreg [dreg:$0x0];
	s2 =	stileid.u32  }
0x54: {  	s1 =	rddreg [dreg:$0x1];
	p0 =	sne.s32 s2, $0x0  }
0x55: {  	s3 =	rddreg [dreg:$0x2];
	[bflag:$0x3] =	sbarrier.arrive $0xFFFF;
	s2 =	simm.s32 @!p0 $0x1C01  }
0x56: {  	[timem:s3], [sflag:s2] =	dma.local @!p0 [hbm:s0], s1  }
0x57: {  	s0 =	simm.s32 @!p0 $0x1  }
0x58: {  	_ =	swait.ge @!p0 [sflag:s0], s1  }
0x59: {  	s1 =	ssub.s32 @!p0 $0x0, s1;
	[sflag:s0] =	ssyncset.done @!p0 $0x0  }
0x5a: {  	[sflag:s0] =	ssyncadd.s32 @!p0 s1  }
0x5b: {  	[bflag:$0x3] =	sbarrier.arrive $0xFFFF  }
0x5c: {  	_ =	shalt  }

// kernel: sparse-core-data-format-call.3.cloned.1.call-start
scs
called_computation.3_lowered:
.L_overlay_start_0:
0x0: {  	s1 =	sld [smem:$0x3FD9]  }
0x1: {  	s2 =	sld [smem:$0x3FFE];
	_ =	sdelay $0x1  }
0x2: {  	s3 =	srdreg.scid  }
0x3: {  	s0 =	sand.u32 $0x1, s3  }
0x4: {  	s17 =	sshll.u32 s0, $0xA;
	s1 =	sadd.s32 s2, s1  }
0x5: {  	s1 =	sadd.s32 s1, s17  }
0x6: {  	[smem:$0x3FC3] =	sst s1  }
0x7: {  	_ = 	snop  }
0x8: {  	(tm) =	ssettm $0x1  }
0x9: {  	s18 =	sld [smem:$0x3FFB];
	_ =	sdelay $0x3  }
0xa: {  	_ =	strace s18  }
0xb: {  	s1 =	sld [smem:$0x3FFC];
	_ =	sdelay $0x3  }
0xc: {  	_ =	strace s1  }
0xd: {  	s1 =	sld [smem:$0x3FFD];
	_ =	sdelay $0x3  }
0xe: {  	_ =	strace s1  }
0xf: {  	_ =	strace $0x8FFFFFFF  }
0x10: {  	s19 =	sld [smem:$0x3FDB];
	_ =	sdelay $0x1  }
0x11: {  	s20 =	simm.s32 $_scs_section_size  }
0x12: {  	s4 =	simm.s32 $_size__tile_overlayer_lowered;
	s5 =	simm.s32 $_tile_overlayer_lowered  }
0x13: {  	s23 =	simm.s32 $0x1BFF;
	s22 =	sshll.u32 s5, $0x1;
	s1 =	sadd.s32 s20, s19  }
0x14: {  	s6 =	simm.s32 $0x0;
	s21 =	sshll.u32 s4, $0x1;
	s4 =	sadd.s32 s22, s1  }
0x15: {  	[timem:s6], [sflag:s23] =	dma.local [hbm:s4], s21  }
0x16: {  	_ =	swait.ge [sflag:s23], s21  }
0x17: {  	s2 =	ssub.s32 $0x0, s21;
	[sflag:s23] =	ssyncset.done $0x0  }
0x18: {  	[sflag:s23] =	ssyncadd.s32 s2;
	_ =	sdelay $0x1  }
0x19: {  	s24 =	simm.s32 $0x1B8B  }
0x1a: {  	_ =	swait.ge [sflag:s24], $0x1  }
0x1b: {  	[sflag:s24] =	ssyncset.done $0x0  }
0x1c: {  	s26 =	simm.s32 $0x1B8E;
	s25 =	sld [smem:$0x3FFE];
	[sflag:s24] =	ssyncadd.s32 $0xFFFFFFFF  }
0x1d: {  	s27 =	simm.s32 $execute0_lowered;
	[smem:$0x3FD2] =	sst s26  }
0x1e: {  	s4 =	sshll.u32 s27, $0x1;
	_ =	strace $0x80000046;
	[dreg:$0x1] =	wrdreg $0xFFFFFFFF  }
0x1f: {  	s28 =	simm.s32 $_size_execute0_lowered;
	s1 =	sadd.s32 s1, s4;
	[dreg:$0x0] =	wrdreg $0x0  }
0x20: {  	s4 =	sshll.u32 s28, $0x1;
	[dreg:$0x2] =	wrdreg s1  }
0x21: {  	[dreg:$0x3] =	wrdreg s4  }
0x22: {  	[dreg:$0x4] =	wrdreg $0xC0  }
0x23: {  	_ =	task [dreg:s6], $0x5FFFF  }
0x24: {  	[dreg:$0x1] =	wrdreg $0xFFFFFFFF  }
0x25: {  	[dreg:$0x0] =	wrdreg $0x60  }
0x26: {  	[dreg:$0x2] =	wrdreg s25  }
0x27: {  	[dreg:$0x3] =	wrdreg $0xC  }
0x28: {  	_ =	task.clear_ibuf [dreg:s6], $0x4FFFF;
	_ =	strace $0x90000046  }
0x29: {  	s29 =	simm.s32 $0xC;
	_ =	strace $0x80000048  }
0x2a: {  	_ =	swait.ge [sflag:s29], $0x1  }
0x2b: {  	[sflag:s29] =	ssyncadd.s32 $0xFFFFFFFF  }
0x2c: {  	_ =	strace $0x90000048  }
0x2d: {  	_ =	sfence  }
0x2e: {  	s30 =	sld [smem:$0x0];
	_ =	sdelay $0x2  }
0x2f: {  	s31 =	sshll.u32 s3, $0xD;
	s3 =	sshrl.u32 s3, $0x2  }
0x30: {  	s2 =	sand.u32 $0x4000, s31;
	s1 =	sadd.s32 s3, s30  }
0x31: {  	s0 =	sor.u32 s2, s0;
	s1 =	sshll.u32 s1, $0x11  }
0x32: {  	s0 =	sor.u32 s1, s0  }
0x33: {  	s0 =	sadd.s32 $0x8F2B, s0  }
0x34: {  	[sflag:s0] =	ssyncadd.remote.s32 $0x1  }
0x35: {  	_ =	sfence.sel $0xFFFF  }
0x36: {  	[dreg:$0x0] =	wrdreg $0xFFFFFFFF;
	(pc) =	sbr.abs _section_cstart, $3  }
0x37: {  	[dreg:$0x1] =	wrdreg $0xFFFFFFFF  }
0x38: {  	_ =	task.clear_ibuf [dreg:s6], $0x2FFFF;
	_ =	strace $0x9FFFFFFF  }
0x39: {  	(tm) =	ssettm $0x7FFFFFFF  }
tec
execute0_lowered:
.L_overlay_start_1:
0x0: {  	(tag) =	ssettag $0x1  }
0x1: {  	s0 =	stileid.u32;
	s1 =	srdreg.scid  }
0x2: {  	s4 =	rddreg [dreg:$0x0];
	s7 =	simm.s32 $0x1;
	s31 =	simm.s32 $0x2  }
0x3: {  	s16 =	simm.s32 $0x0;
	s2 =	sshll.u32 s0, $0x5;
	s1 =	sshll.u32 s1, $0x9  }
0x4: {  	s9 =	simm.s32 $0x4000;
	s14 =	simm.s32 $0x0;
	s1 =	sor.u32 s2, s1  }
0x5: {  	s15 =	simm.s32 $0x0;
	s10 =	simm.s32 $0x0;
	s2 =	sand.u32 $0x380, s1  }
0x6: {  	s13 =	simm.s32 $0x0;
	s3 =	sadd.s32 $0x800000, s4;
	s5 =	ssub.s32 $0x800, s2  }
0x7: {  	s4 =	sadd.s32 $0xA00000, s4;
	s1 =	rddreg [dreg:$0x1];
	s6 =	sand.u32 $0x380, s5  }
.Ltmp0:
0x8: {  	_ =	strace $0x80000047;
	p0 =	sne.s32 s6, $0x0;
	(pc) =	sbr.rel .LBB1_1-.Ltmp0, $4  }
0x9: {  	s11 =	smov.u32 s2;
	s8 =	sshrl.u32 s5, $0xA;
	s7 =	simm.s32 @!p0 $0x0  }
0xa: {  	s5 =	sand.u32 $0x3, s0;
	s6 =	simm.s32 $0x1;
	s7 =	sadd.s32 s7, s8  }
0xb: {  	s12 =	smov.u32 s5;
	[sflag:s6] =	ssyncpa.u1 $0x0;
	s7 =	sshll.u32 s7, $0x3  }
0xc: {  	p0 =	por $0x0, $0x0;
	[sflag:s31] =	ssyncpa.u1 $0x0;
	s8 =	sor.u32 $0x1, s7  }
.LBB1_4:
0xd: {  	v5 =	vld [tilespmem:s19+$0xFFFFFFD0]  }
0xe: {  	[tilespmem:s20+$0x2040 ss:$0x81] =	vst.msk $0xffff, v1;
	v58 =	vld [tilespmem:s19+$0xFFFFFFE0]  }
0xf: {  	[tilespmem:s20+$0x2850 ss:$0x81] =	vst.msk $0xffff, v2;
	v59 =	vld [tilespmem:s19+$0xFFFFFFF0]  }
0x10: {  	s21 =	sshra.s32 s21, $0x2;
	[tilespmem:s20+$0x3060 ss:$0x81] =	vst.msk $0xffff, v3;
	v60 =	vld [tilespmem:s19+$0x0]  }
0x11: {  	[tilespmem:s20+$0x0 ss:$0x81] =	vst.msk $0xffff, v0;
	v61 =	vld [tilespmem:s19+$0x10];
	s18 =	sadd.s32 s21, s18  }
0x12: {  	s26 =	sshll.u32 s16, $0xB;
	v62 =	vld [tilespmem:s19+$0x20];
	[tilespmem:s18+$0x3870 ss:$0x81] =	vst.msk $0xffff, v4  }
0x13: {  	s27 =	sand.u32 $0x78, s14;
	s22 =	sshll.u32 s14, $0x3;
	v63 =	vld [tilespmem:s19+$0xFFFFFFC0];
	s29 =	sshll.u32 s16, $0x7;
	[tilespmem:s18+$0x810 ss:$0x81] =	vst.msk $0xffff, v5  }
0x14: {  	s15 =	sshll.u32 s15, $0x12;
	s20 =	sand.u32 $0x1FC000, s26;
	s28 =	sand.u32 $0x1FFC00, s22;
	[tilespmem:s18+$0x1020 ss:$0x81] =	vst.msk $0xffff, v58  }
0x15: {  	s31 =	sand.u32 $0x7, s14;
	s22 =	sand.u32 $0x400, s22;
	s19 =	sadd.s32 s28, s20;
	[tilespmem:s18+$0x1830 ss:$0x81] =	vst.msk $0xffff, v59  }
0x16: {  	s16 =	sand.u32 $0x380, s29;
	s30 =	sor.u32 s27, s22;
	s19 =	sshrl.u32 s19, $0x3;
	[tilespmem:s18+$0x2040 ss:$0x81] =	vst.msk $0xffff, v60  }
0x17: {  	s15 =	sadd.s32 s4, s15;
	s16 =	sor.u32 s16, s30;
	s19 =	sand.u32 $0x3FF00, s19;
	[tilespmem:s18+$0x2850 ss:$0x81] =	vst.msk $0xffff, v61  }
0x18: {  	s14 =	sshll.u32 s31, $0x12;
	s16 =	sshrl.u32 s16, $0x3;
	[tilespmem:s18+$0x3060 ss:$0x81] =	vst.msk $0xffff, v62;
	s15 =	sadd.s32 s19, s15  }
0x19: {  	s14 =	sor.u32 $0x400, s14;
	[tilespmem:s18+$0x0 ss:$0x81] =	vst.msk $0xffff, v63;
	s15 =	sadd.s32 s16, s15  }
0x1a: {  	[hbm4b:s15+s14] =	stream.strided.scatter [tilespmem:s17], [sflag:$0x2], $0x4000, s9, s14, $0x20;
	[tilespmem:$0x10100] =	vst v63  }
.LBB1_5:
0x1b: {  	s17 =	sadd.s32 $0x80, s10  }
0x1c: {  	s14 =	sadd.s32 $0x400, s11;
	s18 =	smov.u32 s11;
	p2 =	sgt.s32 s17, $0x3FF  }
0x1d: {  	s18 =	smov.u32 @p2 s14  }
0x1e: {  	s20 =	smov.u32 s12;
	s14 =	sadd.s32 $0x4, s12;
	p3 =	sgt.s32 s18, $0x7FF  }
0x1f: {  	s20 =	smov.u32 @p3 s14  }
0x20: {  	s17 =	simm.s32 @p2 $0x0;
	p2 =	sgt.s32 s20, $0x3  }
0x21: {  	p1 =	slt.u32 s13, $0x2;
	s20 =	smov.u32 @p2 s5;
	p2 =	sne.s32 s13, s8  }
.Ltmp1:
0x22: {  	s19 =	simm.s32 @!p1 $0x2;
	(pc) =	sbr.rel @!p2 .LBB1_6-.Ltmp1, $4  }
0x23: {  	s16 =	smov.u32 s10;
	s15 =	smov.u32 s12;
	_ =	swait.ge @!p1 [sflag:s19], $0x4000  }
0x24: {  	p0 =	por !p0, !p0;
	[sflag:s19] =	ssyncset.done @!p1 $0x0;
	s10 =	smov.u32 s17  }
0x25: {  	s18 =	smov.u32 @p3 s2;
	s14 =	smov.u32 s11;
	[sflag:s19] =	ssyncadd.s32 @!p1 $0xFFFFC000  }
0x26: {  	s11 =	smov.u32 s18;
	s13 =	sadd.s32 $0x1, s13;
	s12 =	smov.u32 s20  }
.LBB1_1:
0x27: {  	p1 =	sge.u32 s13, s7  }
0x28: {  	s31 =	sadd.s32 $0xFFFFFFFF, s13;
	s17 =	sshll.u32 @!p1 s11, $0x7  }
0x29: {  	s18 =	sxor.u32 @!p1 $0xFFFFFFFF, s13;
	s19 =	sand.u32 @!p1 $0x78, s10;
	s20 =	sand.u32 @!p1 $0x380, s17  }
0x2a: {  	s18 =	sshll.u32 @!p1 s18, $0xE;
	s19 =	sor.u32 @!p1 s19, s20;
	s20 =	sshll.u32 @!p1 s12, $0x12  }
0x2b: {  	s17 =	sand.u32 @!p1 $0x3FC00, s17;
	s19 =	sshrl.u32 @!p1 s19, $0x3;
	s20 =	sadd.s32 @!p1 s3, s20  }
0x2c: {  	s17 =	sadd.s32 @!p1 s10, s17;
	s19 =	sadd.s32 @!p1 s19, s20;
	s20 =	sand.u32 @!p1 $0x7, s10  }
0x2d: {  	s18 =	sand.u32 @!p1 $0x4000, s18;
	s17 =	sand.u32 @!p1 $0x3FF80, s17;
	s20 =	sshll.u32 @!p1 s20, $0x12  }
0x2e: {  	s17 =	sadd.s32 @!p1 s17, s19;
	s19 =	sor.u32 @!p1 $0x400, s20;
	s20 =	simm.s32 @!p1 $0x2000  }
0x2f: {  	[tilespmem:s18], [sflag:$0x1] =	stream.strided.gather @!p1 [hbm4b:s17+s19], $0x4000, s20, s19, $0x38;
	[tilespmem:$0x10100] =	vst v63  }
0x30: {  	p1 =	sge.u32 s31, s7  }
.Ltmp2:
0x31: {  	_ = 	snop;
	(pc) =	sbr.rel @p1 .LBB1_5-.Ltmp2, $1  }
0x32: {  	_ =	sdelay $0x3  }
0x33: {  	s17 =	simm.s32 $0x1  }
0x34: {  	_ =	swait.ge [sflag:s6], $0x4000;
	s17 =	simm.s32 @!p0 $0x0  }
0x35: {  	[sflag:s6] =	ssyncset.done $0x0;
	s18 =	sshll.u32 s17, $0xE  }
0x36: {  	[sflag:s6] =	ssyncadd.s32 $0xFFFFC000;
	s19 =	sor.u32 $0x40, s18  }
0x37: {  	s17 =	smul.u32 $0x10200, s17;
	v0 =	vld [tilespmem:s19+$0x30]  }
0x38: {  	v3 =	vld [tilespmem:s19+$0xFFFFFFD0]  }
0x39: {  	s17 =	sshrl.u32 s17, $0x2;
	v4 =	vld [tilespmem:s19+$0xFFFFFFE0]  }
0x3a: {  	v5 =	vld [tilespmem:s19+$0xFFFFFFF0];
	s18 =	sor.u32 $0x8000, s17  }
0x3b: {  	s31 =	sand.u32 $0x1, s13;
	v1 =	vld [tilespmem:s19+$0x0];
	s20 =	sadd.s32 $0x0, s18  }
0x3c: {  	v2 =	vld [tilespmem:s19+$0x10];
	s17 =	smul.u32 $0x10200, s31;
	[tilespmem:s20+$0x3870 ss:$0x81] =	vst.msk $0xffff, v0  }
0x3d: {  	[tilespmem:s20+$0x810 ss:$0x81] =	vst.msk $0xffff, v3;
	v3 =	vld [tilespmem:s19+$0x20]  }
0x3e: {  	s17 =	sshrl.u32 s17, $0x2;
	v0 =	vld [tilespmem:s19+$0xFFFFFFC0];
	[tilespmem:s20+$0x1020 ss:$0x81] =	vst.msk $0xffff, v4;
	s19 =	sadd.s32 $0x80, s19  }
0x3f: {  	s21 =	simm.s32 $0x4;
	s22 =	simm.s32 $0x8;
	s17 =	sor.u32 $0x8000, s17;
	[tilespmem:s20+$0x1830 ss:$0x81] =	vst.msk $0xffff, v5;
	v4 =	vld [tilespmem:s19+$0x30]  }
.LBB1_3:
0x40: {  	p1 =	sne.s32 s22, $0x1FC;
	v5 =	vld [tilespmem:s19+$0xFFFFFFD0];
	[tilespmem:s20+$0x2040 ss:$0x81] =	vst.msk $0xffff, v1  }
0x41: {  	v6 =	vld [tilespmem:s19+$0xFFFFFFE0];
	[tilespmem:s20+$0x2850 ss:$0x81] =	vst.msk $0xffff, v2  }
0x42: {  	s23 =	sshra.s32 s21, $0x2;
	s21 =	smov.u32 s22;
	v7 =	vld [tilespmem:s19+$0xFFFFFFF0];
	[tilespmem:s20+$0x3060 ss:$0x81] =	vst.msk $0xffff, v3  }
.Ltmp3:
0x43: {  	v1 =	vld [tilespmem:s19+$0x0];
	[tilespmem:s20+$0x0 ss:$0x81] =	vst.msk $0xffff, v0;
	s20 =	sadd.s32 s23, s18;
	(pc) =	sbr.rel @p1 .LBB1_3-.Ltmp3, $4  }
0x44: {  	v2 =	vld [tilespmem:s19+$0x10];
	[tilespmem:s20+$0x3870 ss:$0x81] =	vst.msk $0xffff, v4  }
0x45: {  	[tilespmem:s20+$0x810 ss:$0x81] =	vst.msk $0xffff, v5;
	v3 =	vld [tilespmem:s19+$0x20]  }
0x46: {  	v0 =	vld [tilespmem:s19+$0xFFFFFFC0];
	[tilespmem:s20+$0x1020 ss:$0x81] =	vst.msk $0xffff, v6;
	s19 =	sadd.s32 $0x80, s19  }
0x47: {  	s22 =	sadd.s32 $0x4, s22;
	v4 =	vld [tilespmem:s19+$0x30];
	[tilespmem:s20+$0x1830 ss:$0x81] =	vst.msk $0xffff, v7  }
.Ltmp4:
0x48: {  	_ = 	snop;
	(pc) =	sbr.rel .LBB1_4-.Ltmp4, $1  }
0x49: {  	_ =	sdelay $0x3  }
.LBB1_6:
0x4a: {  	_ =	sfence.sel $0x180000  }
0x4b: {  	s2 =	simm.s32 $0x1;
	[bflag:$0x0] =	sbarrier.arrive $0xFFFF  }
0x4c: {  	s31 =	simm.s32 $0x2;
	[sflag:s2] =	ssyncpa.u1 $0x1  }
0x4d: {  	[sflag:s31] =	ssyncpa.u1 $0x1  }
0x4e: {  	p0 =	sne.s32 s0, $0x0;
	_ =	strace $0x90000047  }
0x4f: {  	s0 =	sadd.s32 @!p0 $0x100000, s1;
	[bflag:$0x2] =	sbarrier.arrive $0xFFFF  }
0x50: {  	[sflag:s0] =	ssyncadd.tile.s32 @!p0 $0x1;
	_ =	shalt  }
.Lfunc_end1:
_tile_overlayer_lowered:
.L_overlay_start_2:
0x51: {  	(tag) =	ssettag $0x2  }
0x52: {  	s0 =	rddreg [dreg:$0x0];
	s2 =	stileid.u32  }
0x53: {  	s1 =	rddreg [dreg:$0x1];
	p0 =	sne.s32 s2, $0x0  }
0x54: {  	s3 =	rddreg [dreg:$0x2];
	[bflag:$0x3] =	sbarrier.arrive $0xFFFF;
	s2 =	simm.s32 @!p0 $0x1C01  }
0x55: {  	[timem:s3], [sflag:s2] =	dma.local @!p0 [hbm:s0], s1  }
0x56: {  	s0 =	simm.s32 @!p0 $0x1  }
0x57: {  	_ =	swait.ge @!p0 [sflag:s0], s1  }
0x58: {  	s1 =	ssub.s32 @!p0 $0x0, s1;
	[sflag:s0] =	ssyncset.done @!p0 $0x0  }
0x59: {  	[sflag:s0] =	ssyncadd.s32 @!p0 s1  }
0x5a: {  	[bflag:$0x3] =	sbarrier.arrive $0xFFFF  }
0x5b: {  	_ =	shalt  }

// kernel: sparse-core-data-format-call.4.cloned.1.call-start
scs
called_computation.4_lowered:
.L_overlay_start_0:
0x0: {  	s2 =	sld [smem:$0x3FD9]  }
0x1: {  	s3 =	sld [smem:$0x3FFE];
	_ =	sdelay $0x1  }
0x2: {  	s1 =	srdreg.scid  }
0x3: {  	s0 =	sand.u32 $0x1, s1  }
0x4: {  	s18 =	sshll.u32 s0, $0xA;
	s2 =	sadd.s32 s3, s2  }
0x5: {  	s2 =	sadd.s32 s2, s18  }
0x6: {  	[smem:$0x3FC3] =	sst s2  }
0x7: {  	_ = 	snop  }
0x8: {  	(tm) =	ssettm $0x1  }
0x9: {  	s19 =	sld [smem:$0x3FFB];
	_ =	sdelay $0x3  }
0xa: {  	_ =	strace s19  }
0xb: {  	s2 =	sld [smem:$0x3FFC];
	_ =	sdelay $0x3  }
0xc: {  	_ =	strace s2  }
0xd: {  	s2 =	sld [smem:$0x3FFD];
	_ =	sdelay $0x3  }
0xe: {  	_ =	strace s2  }
0xf: {  	_ =	strace $0x8FFFFFFF  }
0x10: {  	s20 =	sld [smem:$0x3FDB];
	_ =	sdelay $0x1  }
0x11: {  	s21 =	simm.s32 $_scs_section_size  }
0x12: {  	s4 =	simm.s32 $_size__tile_overlayer_lowered;
	s5 =	simm.s32 $_tile_overlayer_lowered  }
0x13: {  	s6 =	simm.s32 $0x1BFF;
	s22 =	sshll.u32 s5, $0x1;
	s3 =	sadd.s32 s21, s20  }
0x14: {  	s23 =	simm.s32 $0x0;
	s4 =	sshll.u32 s4, $0x1;
	s5 =	sadd.s32 s22, s3  }
0x15: {  	[timem:s23], [sflag:s6] =	dma.local [hbm:s5], s4  }
0x16: {  	_ =	swait.ge [sflag:s6], s4  }
0x17: {  	s4 =	ssub.s32 $0x0, s4;
	[sflag:s6] =	ssyncset.done $0x0  }
0x18: {  	[sflag:s6] =	ssyncadd.s32 s4;
	_ =	sdelay $0x1  }
0x19: {  	s24 =	simm.s32 $0x1B8B  }
0x1a: {  	_ =	swait.ge [sflag:s24], $0x1  }
0x1b: {  	[sflag:s24] =	ssyncset.done $0x0  }
0x1c: {  	[sflag:s24] =	ssyncadd.s32 $0xFFFFFFFF  }
0x1d: {  	s4 =	sld [smem:$0x0]  }
0x1e: {  	s5 =	sand.u32 $0xFFFFFFFE, s1  }
0x1f: {  	p0 =	sne.s32 s1, s5  }
0x20: {  	s5 =	sshll.u32 @p0 s5, $0xE  }
0x21: {  	s5 =	sadd.s32 @p0 $0x11B8D, s5;
	s6 =	sshll.u32 @p0 s4, $0x11  }
0x22: {  	s5 =	sor.u32 @p0 s6, s5  }
0x23: {  	[sflag:s5] =	ssyncadd.remote.s32 @p0 $0x1;
	_ =	sdelay $0x1  }
0x24: {  	s5 =	simm.s32 @p0 $0x1B8D  }
0x25: {  	_ =	swait.eq @p0 [sflag:s5], $0x1  }
0x26: {  	[sflag:s5] =	ssyncadd.s32 @p0 $0xFFFFFFFF  }
0x27: {  	s6 =	sshll.u32 @!p0 s1, $0xE  }
0x28: {  	s6 =	sor.u32 @!p0 $0x4000, s6;
	s5 =	simm.s32 @!p0 $0x1B8D  }
0x29: {  	s4 =	sshll.u32 @!p0 s4, $0x11;
	s6 =	sadd.s32 @!p0 $0x11B8D, s6;
	_ =	swait.eq @!p0 [sflag:s5], $0x1  }
0x2a: {  	s4 =	sor.u32 @!p0 s4, s6;
	[sflag:s5] =	ssyncadd.s32 @!p0 $0xFFFFFFFF  }
0x2b: {  	s26 =	simm.s32 $0x1B8E;
	s25 =	sld [smem:$0x3FFE];
	[sflag:s4] =	ssyncadd.remote.s32 @!p0 $0x1  }
0x2c: {  	s27 =	simm.s32 $execute0_lowered;
	[smem:$0x3FD2] =	sst s26  }
0x2d: {  	s5 =	sshll.u32 s27, $0x1;
	_ =	strace $0x80000052;
	[dreg:$0x1] =	wrdreg $0xFFFFFFFF  }
0x2e: {  	s28 =	simm.s32 $_size_execute0_lowered;
	s3 =	sadd.s32 s3, s5;
	[dreg:$0x0] =	wrdreg $0x0  }
0x2f: {  	s5 =	sshll.u32 s28, $0x1;
	[dreg:$0x2] =	wrdreg s3  }
0x30: {  	[dreg:$0x3] =	wrdreg s5  }
0x31: {  	[dreg:$0x4] =	wrdreg $0xC0  }
0x32: {  	_ =	task [dreg:s23], $0x5FFFF  }
0x33: {  	[dreg:$0x1] =	wrdreg $0xFFFFFFFF  }
0x34: {  	[dreg:$0x0] =	wrdreg $0x60  }
0x35: {  	[dreg:$0x2] =	wrdreg s25  }
0x36: {  	[dreg:$0x3] =	wrdreg $0xD  }
0x37: {  	_ =	task.clear_ibuf [dreg:s23], $0x4FFFF;
	_ =	strace $0x90000052  }
0x38: {  	s29 =	simm.s32 $0xD;
	_ =	strace $0x80000054  }
0x39: {  	_ =	swait.ge [sflag:s29], $0x1  }
0x3a: {  	[sflag:s29] =	ssyncadd.s32 $0xFFFFFFFF  }
0x3b: {  	_ =	strace $0x90000054  }
0x3c: {  	_ =	sfence  }
0x3d: {  	s30 =	sld [smem:$0x0];
	_ =	sdelay $0x2  }
0x3e: {  	s31 =	sshll.u32 s1, $0xD;
	s1 =	sshrl.u32 s1, $0x2  }
0x3f: {  	s4 =	sand.u32 $0x4000, s31;
	s1 =	sadd.s32 s1, s30  }
0x40: {  	s0 =	sor.u32 s4, s0;
	s1 =	sshll.u32 s1, $0x11  }
0x41: {  	s0 =	sor.u32 s1, s0  }
0x42: {  	s0 =	sadd.s32 $0x8F2B, s0  }
0x43: {  	[sflag:s0] =	ssyncadd.remote.s32 $0x1  }
0x44: {  	_ =	sfence.sel $0xFFFF  }
0x45: {  	[dreg:$0x0] =	wrdreg $0xFFFFFFFF;
	(pc) =	sbr.abs _section_cstart, $3  }
0x46: {  	[dreg:$0x1] =	wrdreg $0xFFFFFFFF  }
0x47: {  	_ =	task.clear_ibuf [dreg:s23], $0x2FFFF;
	_ =	strace $0x9FFFFFFF  }
0x48: {  	(tm) =	ssettm $0x7FFFFFFF  }
0x49: {  	_ =	shalt  }
tec
execute0_lowered:
.L_overlay_start_1:
0x0: {  	(tag) =	ssettag $0x1  }
0x1: {  	s0 =	stileid.u32;
	s1 =	srdreg.scid  }
0x2: {  	s4 =	rddreg [dreg:$0x0];
	s7 =	simm.s32 $0x1;
	s31 =	simm.s32 $0x2  }
0x3: {  	s16 =	simm.s32 $0x0;
	s2 =	sshll.u32 s0, $0x5;
	s1 =	sshll.u32 s1, $0x9  }
0x4: {  	s9 =	simm.s32 $0x4000;
	s14 =	simm.s32 $0x0;
	s1 =	sor.u32 s2, s1  }
0x5: {  	s15 =	simm.s32 $0x0;
	s10 =	simm.s32 $0x0;
	s2 =	sand.u32 $0x380, s1  }
0x6: {  	s13 =	simm.s32 $0x0;
	s3 =	sadd.s32 $0x1000000, s4;
	s5 =	ssub.s32 $0x800, s2  }
0x7: {  	s4 =	sadd.s32 $0x400000, s4;
	s1 =	rddreg [dreg:$0x1];
	s6 =	sand.u32 $0x380, s5  }
.Ltmp0:
0x8: {  	_ =	strace $0x80000053;
	p0 =	sne.s32 s6, $0x0;
	(pc) =	sbr.rel .LBB1_1-.Ltmp0, $4  }
0x9: {  	s11 =	smov.u32 s2;
	s8 =	sshrl.u32 s5, $0xA;
	s7 =	simm.s32 @!p0 $0x0  }
0xa: {  	s5 =	sand.u32 $0x3, s0;
	s6 =	simm.s32 $0x1;
	s7 =	sadd.s32 s7, s8  }
0xb: {  	s12 =	smov.u32 s5;
	[sflag:s6] =	ssyncpa.u1 $0x0;
	s7 =	sshll.u32 s7, $0x4  }
0xc: {  	p0 =	por $0x0, $0x0;
	[sflag:s31] =	ssyncpa.u1 $0x0;
	s8 =	sor.u32 $0x1, s7  }
.LBB1_4:
0xd: {  	v5 =	vld [tilespmem:s19+$0xFFFFFFD0]  }
0xe: {  	[tilespmem:s20+$0x2040 ss:$0x81] =	vst.msk $0xffff, v1;
	v58 =	vld [tilespmem:s19+$0xFFFFFFE0]  }
0xf: {  	[tilespmem:s20+$0x2850 ss:$0x81] =	vst.msk $0xffff, v2;
	v59 =	vld [tilespmem:s19+$0xFFFFFFF0]  }
0x10: {  	s21 =	sshra.s32 s21, $0x2;
	[tilespmem:s20+$0x3060 ss:$0x81] =	vst.msk $0xffff, v3;
	v60 =	vld [tilespmem:s19+$0x0]  }
0x11: {  	[tilespmem:s20+$0x0 ss:$0x81] =	vst.msk $0xffff, v0;
	v61 =	vld [tilespmem:s19+$0x10];
	s18 =	sadd.s32 s21, s18  }
0x12: {  	s26 =	sshll.u32 s16, $0xB;
	v62 =	vld [tilespmem:s19+$0x20];
	[tilespmem:s18+$0x3870 ss:$0x81] =	vst.msk $0xffff, v4  }
0x13: {  	s27 =	sand.u32 $0x78, s14;
	s22 =	sshll.u32 s14, $0x3;
	v63 =	vld [tilespmem:s19+$0xFFFFFFC0];
	s29 =	sshll.u32 s16, $0x7;
	[tilespmem:s18+$0x810 ss:$0x81] =	vst.msk $0xffff, v5  }
0x14: {  	s15 =	sshll.u32 s15, $0x13;
	s20 =	sand.u32 $0x3FC000, s26;
	s28 =	sand.u32 $0x3FFC00, s22;
	[tilespmem:s18+$0x1020 ss:$0x81] =	vst.msk $0xffff, v58  }
0x15: {  	s31 =	sand.u32 $0x7, s14;
	s22 =	sand.u32 $0x400, s22;
	s19 =	sadd.s32 s28, s20;
	[tilespmem:s18+$0x1830 ss:$0x81] =	vst.msk $0xffff, v59  }
0x16: {  	s16 =	sand.u32 $0x380, s29;
	s30 =	sor.u32 s27, s22;
	s19 =	sshrl.u32 s19, $0x3;
	[tilespmem:s18+$0x2040 ss:$0x81] =	vst.msk $0xffff, v60  }
0x17: {  	s15 =	sadd.s32 s4, s15;
	s16 =	sor.u32 s16, s30;
	s19 =	sand.u32 $0x7FF00, s19;
	[tilespmem:s18+$0x2850 ss:$0x81] =	vst.msk $0xffff, v61  }
0x18: {  	s14 =	sshll.u32 s31, $0x12;
	s16 =	sshrl.u32 s16, $0x3;
	[tilespmem:s18+$0x3060 ss:$0x81] =	vst.msk $0xffff, v62;
	s15 =	sadd.s32 s19, s15  }
0x19: {  	s14 =	sor.u32 $0x400, s14;
	[tilespmem:s18+$0x0 ss:$0x81] =	vst.msk $0xffff, v63;
	s15 =	sadd.s32 s16, s15  }
0x1a: {  	[hbm4b:s15+s14] =	stream.strided.scatter [tilespmem:s17], [sflag:$0x2], $0x4000, s9, s14, $0x20;
	[tilespmem:$0x10100] =	vst v63  }
.LBB1_5:
0x1b: {  	s17 =	sadd.s32 $0x80, s10  }
0x1c: {  	s14 =	sadd.s32 $0x400, s11;
	s18 =	smov.u32 s11;
	p2 =	sgt.s32 s17, $0x7FF  }
0x1d: {  	s18 =	smov.u32 @p2 s14  }
0x1e: {  	s20 =	smov.u32 s12;
	s14 =	sadd.s32 $0x4, s12;
	p3 =	sgt.s32 s18, $0x7FF  }
0x1f: {  	s20 =	smov.u32 @p3 s14  }
0x20: {  	s17 =	simm.s32 @p2 $0x0;
	p2 =	sgt.s32 s20, $0x3  }
0x21: {  	p1 =	slt.u32 s13, $0x2;
	s20 =	smov.u32 @p2 s5;
	p2 =	sne.s32 s13, s8  }
.Ltmp1:
0x22: {  	s19 =	simm.s32 @!p1 $0x2;
	(pc) =	sbr.rel @!p2 .LBB1_6-.Ltmp1, $4  }
0x23: {  	s16 =	smov.u32 s10;
	s15 =	smov.u32 s12;
	_ =	swait.ge @!p1 [sflag:s19], $0x4000  }
0x24: {  	p0 =	por !p0, !p0;
	[sflag:s19] =	ssyncset.done @!p1 $0x0;
	s10 =	smov.u32 s17  }
0x25: {  	s18 =	smov.u32 @p3 s2;
	s14 =	smov.u32 s11;
	[sflag:s19] =	ssyncadd.s32 @!p1 $0xFFFFC000  }
0x26: {  	s11 =	smov.u32 s18;
	s13 =	sadd.s32 $0x1, s13;
	s12 =	smov.u32 s20  }
.LBB1_1:
0x27: {  	p1 =	sge.u32 s13, s7;
	s31 =	sadd.s32 $0xFFFFFFFF, s13  }
0x28: {  	s17 =	sxor.u32 @!p1 $0xFFFFFFFF, s13;
	s18 =	sand.u32 @!p1 $0x78, s10;
	s19 =	sshll.u32 @!p1 s11, $0xB  }
0x29: {  	s20 =	sshll.u32 @!p1 s11, $0x7;
	s21 =	sshll.u32 @!p1 s10, $0x3;
	s17 =	sshll.u32 @!p1 s17, $0xE  }
0x2a: {  	s19 =	sand.u32 @!p1 $0x3FC000, s19;
	s20 =	sand.u32 @!p1 $0x380, s20;
	s17 =	sand.u32 @!p1 $0x4000, s17  }
0x2b: {  	s19 =	sadd.s32 @!p1 s19, s21;
	s21 =	sand.u32 @!p1 $0x400, s21;
	s18 =	sor.u32 @!p1 s20, s18  }
0x2c: {  	s20 =	sshll.u32 @!p1 s12, $0x13;
	s18 =	sor.u32 @!p1 s21, s18;
	s19 =	sshrl.u32 @!p1 s19, $0x3  }
0x2d: {  	s20 =	sadd.s32 @!p1 s3, s20;
	s21 =	sand.u32 @!p1 $0x7, s10;
	s19 =	sand.u32 @!p1 $0x7FF00, s19  }
0x2e: {  	s18 =	sshrl.u32 @!p1 s18, $0x3;
	s19 =	sadd.s32 @!p1 s19, s20;
	s20 =	sshll.u32 @!p1 s21, $0x12  }
0x2f: {  	s18 =	sadd.s32 @!p1 s18, s19;
	s19 =	sor.u32 @!p1 $0x400, s20;
	s20 =	simm.s32 @!p1 $0x4000  }
0x30: {  	[tilespmem:s17], [sflag:$0x1] =	stream.strided.gather @!p1 [hbm4b:s18+s19], $0x4000, s20, s19, $0x38;
	[tilespmem:$0x10100] =	vst v63  }
0x31: {  	p1 =	sge.u32 s31, s7  }
.Ltmp2:
0x32: {  	_ = 	snop;
	(pc) =	sbr.rel @p1 .LBB1_5-.Ltmp2, $1  }
0x33: {  	_ =	sdelay $0x3  }
0x34: {  	s17 =	simm.s32 $0x1  }
0x35: {  	_ =	swait.ge [sflag:s6], $0x4000;
	s17 =	simm.s32 @!p0 $0x0  }
0x36: {  	[sflag:s6] =	ssyncset.done $0x0;
	s18 =	sshll.u32 s17, $0xE  }
0x37: {  	[sflag:s6] =	ssyncadd.s32 $0xFFFFC000;
	s19 =	sor.u32 $0x40, s18  }
0x38: {  	s17 =	smul.u32 $0x10200, s17;
	v0 =	vld [tilespmem:s19+$0x30]  }
0x39: {  	v3 =	vld [tilespmem:s19+$0xFFFFFFD0]  }
0x3a: {  	s17 =	sshrl.u32 s17, $0x2;
	v4 =	vld [tilespmem:s19+$0xFFFFFFE0]  }
0x3b: {  	v5 =	vld [tilespmem:s19+$0xFFFFFFF0];
	s18 =	sor.u32 $0x8000, s17  }
0x3c: {  	s31 =	sand.u32 $0x1, s13;
	v1 =	vld [tilespmem:s19+$0x0];
	s20 =	sadd.s32 $0x0, s18  }
0x3d: {  	v2 =	vld [tilespmem:s19+$0x10];
	s17 =	smul.u32 $0x10200, s31;
	[tilespmem:s20+$0x3870 ss:$0x81] =	vst.msk $0xffff, v0  }
0x3e: {  	[tilespmem:s20+$0x810 ss:$0x81] =	vst.msk $0xffff, v3;
	v3 =	vld [tilespmem:s19+$0x20]  }
0x3f: {  	s17 =	sshrl.u32 s17, $0x2;
	v0 =	vld [tilespmem:s19+$0xFFFFFFC0];
	[tilespmem:s20+$0x1020 ss:$0x81] =	vst.msk $0xffff, v4;
	s19 =	sadd.s32 $0x80, s19  }
0x40: {  	s21 =	simm.s32 $0x4;
	s22 =	simm.s32 $0x8;
	s17 =	sor.u32 $0x8000, s17;
	[tilespmem:s20+$0x1830 ss:$0x81] =	vst.msk $0xffff, v5;
	v4 =	vld [tilespmem:s19+$0x30]  }
.LBB1_3:
0x41: {  	p1 =	sne.s32 s22, $0x1FC;
	v5 =	vld [tilespmem:s19+$0xFFFFFFD0];
	[tilespmem:s20+$0x2040 ss:$0x81] =	vst.msk $0xffff, v1  }
0x42: {  	v6 =	vld [tilespmem:s19+$0xFFFFFFE0];
	[tilespmem:s20+$0x2850 ss:$0x81] =	vst.msk $0xffff, v2  }
0x43: {  	s23 =	sshra.s32 s21, $0x2;
	s21 =	smov.u32 s22;
	v7 =	vld [tilespmem:s19+$0xFFFFFFF0];
	[tilespmem:s20+$0x3060 ss:$0x81] =	vst.msk $0xffff, v3  }
.Ltmp3:
0x44: {  	v1 =	vld [tilespmem:s19+$0x0];
	[tilespmem:s20+$0x0 ss:$0x81] =	vst.msk $0xffff, v0;
	s20 =	sadd.s32 s23, s18;
	(pc) =	sbr.rel @p1 .LBB1_3-.Ltmp3, $4  }
0x45: {  	v2 =	vld [tilespmem:s19+$0x10];
	[tilespmem:s20+$0x3870 ss:$0x81] =	vst.msk $0xffff, v4  }
0x46: {  	[tilespmem:s20+$0x810 ss:$0x81] =	vst.msk $0xffff, v5;
	v3 =	vld [tilespmem:s19+$0x20]  }
0x47: {  	v0 =	vld [tilespmem:s19+$0xFFFFFFC0];
	[tilespmem:s20+$0x1020 ss:$0x81] =	vst.msk $0xffff, v6;
	s19 =	sadd.s32 $0x80, s19  }
0x48: {  	s22 =	sadd.s32 $0x4, s22;
	v4 =	vld [tilespmem:s19+$0x30];
	[tilespmem:s20+$0x1830 ss:$0x81] =	vst.msk $0xffff, v7  }
.Ltmp4:
0x49: {  	_ = 	snop;
	(pc) =	sbr.rel .LBB1_4-.Ltmp4, $1  }
0x4a: {  	_ =	sdelay $0x3  }
.LBB1_6:
0x4b: {  	_ =	sfence.sel $0x180000  }
0x4c: {  	s2 =	simm.s32 $0x1;
	[bflag:$0x0] =	sbarrier.arrive $0xFFFF  }
0x4d: {  	s31 =	simm.s32 $0x2;
	[sflag:s2] =	ssyncpa.u1 $0x1  }
0x4e: {  	[sflag:s31] =	ssyncpa.u1 $0x1  }
0x4f: {  	p0 =	sne.s32 s0, $0x0;
	_ =	strace $0x90000053  }
0x50: {  	s0 =	sadd.s32 @!p0 $0x100000, s1;
	[bflag:$0x2] =	sbarrier.arrive $0xFFFF  }
0x51: {  	[sflag:s0] =	ssyncadd.tile.s32 @!p0 $0x1;
	_ =	shalt  }
.Lfunc_end1:
_tile_overlayer_lowered:
.L_overlay_start_2:
0x52: {  	(tag) =	ssettag $0x2  }
0x53: {  	s0 =	rddreg [dreg:$0x0];
	s2 =	stileid.u32  }
0x54: {  	s1 =	rddreg [dreg:$0x1];
	p0 =	sne.s32 s2, $0x0  }
0x55: {  	s3 =	rddreg [dreg:$0x2];
	[bflag:$0x3] =	sbarrier.arrive $0xFFFF;
	s2 =	simm.s32 @!p0 $0x1C01  }
0x56: {  	[timem:s3], [sflag:s2] =	dma.local @!p0 [hbm:s0], s1  }
0x57: {  	s0 =	simm.s32 @!p0 $0x1  }
0x58: {  	_ =	swait.ge @!p0 [sflag:s0], s1  }
0x59: {  	s1 =	ssub.s32 @!p0 $0x0, s1;
	[sflag:s0] =	ssyncset.done @!p0 $0x0  }
0x5a: {  	[sflag:s0] =	ssyncadd.s32 @!p0 s1  }
0x5b: {  	[bflag:$0x3] =	sbarrier.arrive $0xFFFF  }
0x5c: {  	_ =	shalt  }

// kernel: sparse-core-data-format-call.cloned.1.call-start
scs
called_computation_lowered:
.L_overlay_start_0:
0x0: {  	s2 =	sld [smem:$0x3FD9]  }
0x1: {  	s3 =	sld [smem:$0x3FFE];
	_ =	sdelay $0x1  }
0x2: {  	s1 =	srdreg.scid  }
0x3: {  	s0 =	sand.u32 $0x1, s1  }
0x4: {  	s18 =	sshll.u32 s0, $0xA;
	s2 =	sadd.s32 s3, s2  }
0x5: {  	s2 =	sadd.s32 s2, s18  }
0x6: {  	[smem:$0x3FC3] =	sst s2  }
0x7: {  	_ = 	snop  }
0x8: {  	(tm) =	ssettm $0x1  }
0x9: {  	s19 =	sld [smem:$0x3FFB];
	_ =	sdelay $0x3  }
0xa: {  	_ =	strace s19  }
0xb: {  	s2 =	sld [smem:$0x3FFC];
	_ =	sdelay $0x3  }
0xc: {  	_ =	strace s2  }
0xd: {  	s2 =	sld [smem:$0x3FFD];
	_ =	sdelay $0x3  }
0xe: {  	_ =	strace s2  }
0xf: {  	_ =	strace $0x8FFFFFFF  }
0x10: {  	s20 =	sld [smem:$0x3FDB];
	_ =	sdelay $0x1  }
0x11: {  	s21 =	simm.s32 $_scs_section_size  }
0x12: {  	s4 =	simm.s32 $_size__tile_overlayer_lowered;
	s5 =	simm.s32 $_tile_overlayer_lowered  }
0x13: {  	s6 =	simm.s32 $0x1BFF;
	s22 =	sshll.u32 s5, $0x1;
	s3 =	sadd.s32 s21, s20  }
0x14: {  	s23 =	simm.s32 $0x0;
	s4 =	sshll.u32 s4, $0x1;
	s5 =	sadd.s32 s22, s3  }
0x15: {  	[timem:s23], [sflag:s6] =	dma.local [hbm:s5], s4  }
0x16: {  	_ =	swait.ge [sflag:s6], s4  }
0x17: {  	s4 =	ssub.s32 $0x0, s4;
	[sflag:s6] =	ssyncset.done $0x0  }
0x18: {  	[sflag:s6] =	ssyncadd.s32 s4;
	_ =	sdelay $0x1  }
0x19: {  	s24 =	simm.s32 $0x1B8B  }
0x1a: {  	_ =	swait.ge [sflag:s24], $0x1  }
0x1b: {  	[sflag:s24] =	ssyncset.done $0x0  }
0x1c: {  	[sflag:s24] =	ssyncadd.s32 $0xFFFFFFFF  }
0x1d: {  	s4 =	sld [smem:$0x0]  }
0x1e: {  	s5 =	sand.u32 $0xFFFFFFFE, s1  }
0x1f: {  	p0 =	sne.s32 s1, s5  }
0x20: {  	s5 =	sshll.u32 @p0 s5, $0xE  }
0x21: {  	s5 =	sadd.s32 @p0 $0x11B8D, s5;
	s6 =	sshll.u32 @p0 s4, $0x11  }
0x22: {  	s5 =	sor.u32 @p0 s6, s5  }
0x23: {  	[sflag:s5] =	ssyncadd.remote.s32 @p0 $0x1;
	_ =	sdelay $0x1  }
0x24: {  	s5 =	simm.s32 @p0 $0x1B8D  }
0x25: {  	_ =	swait.eq @p0 [sflag:s5], $0x1  }
0x26: {  	[sflag:s5] =	ssyncadd.s32 @p0 $0xFFFFFFFF  }
0x27: {  	s6 =	sshll.u32 @!p0 s1, $0xE  }
0x28: {  	s6 =	sor.u32 @!p0 $0x4000, s6;
	s5 =	simm.s32 @!p0 $0x1B8D  }
0x29: {  	s4 =	sshll.u32 @!p0 s4, $0x11;
	s6 =	sadd.s32 @!p0 $0x11B8D, s6;
	_ =	swait.eq @!p0 [sflag:s5], $0x1  }
0x2a: {  	s4 =	sor.u32 @!p0 s4, s6;
	[sflag:s5] =	ssyncadd.s32 @!p0 $0xFFFFFFFF  }
0x2b: {  	s26 =	simm.s32 $0x1B8E;
	s25 =	sld [smem:$0x3FFE];
	[sflag:s4] =	ssyncadd.remote.s32 @!p0 $0x1  }
0x2c: {  	s27 =	simm.s32 $execute0_lowered;
	[smem:$0x3FD2] =	sst s26  }
0x2d: {  	s5 =	sshll.u32 s27, $0x1;
	_ =	strace $0x80000049;
	[dreg:$0x1] =	wrdreg $0xFFFFFFFF  }
0x2e: {  	s28 =	simm.s32 $_size_execute0_lowered;
	s3 =	sadd.s32 s3, s5;
	[dreg:$0x0] =	wrdreg $0x0  }
0x2f: {  	s5 =	sshll.u32 s28, $0x1;
	[dreg:$0x2] =	wrdreg s3  }
0x30: {  	[dreg:$0x3] =	wrdreg s5  }
0x31: {  	[dreg:$0x4] =	wrdreg $0xC0  }
0x32: {  	_ =	task [dreg:s23], $0x5FFFF  }
0x33: {  	[dreg:$0x1] =	wrdreg $0xFFFFFFFF  }
0x34: {  	[dreg:$0x0] =	wrdreg $0x60  }
0x35: {  	[dreg:$0x2] =	wrdreg s25  }
0x36: {  	[dreg:$0x3] =	wrdreg $0x9  }
0x37: {  	_ =	task.clear_ibuf [dreg:s23], $0x4FFFF;
	_ =	strace $0x90000049  }
0x38: {  	s29 =	simm.s32 $0x9;
	_ =	strace $0x8000004B  }
0x39: {  	_ =	swait.ge [sflag:s29], $0x1  }
0x3a: {  	[sflag:s29] =	ssyncadd.s32 $0xFFFFFFFF  }
0x3b: {  	_ =	strace $0x9000004B  }
0x3c: {  	_ =	sfence  }
0x3d: {  	s30 =	sld [smem:$0x0];
	_ =	sdelay $0x2  }
0x3e: {  	s31 =	sshll.u32 s1, $0xD;
	s1 =	sshrl.u32 s1, $0x2  }
0x3f: {  	s4 =	sand.u32 $0x4000, s31;
	s1 =	sadd.s32 s1, s30  }
0x40: {  	s0 =	sor.u32 s4, s0;
	s1 =	sshll.u32 s1, $0x11  }
0x41: {  	s0 =	sor.u32 s1, s0  }
0x42: {  	s0 =	sadd.s32 $0x8F2B, s0  }
0x43: {  	[sflag:s0] =	ssyncadd.remote.s32 $0x1  }
0x44: {  	_ =	sfence.sel $0xFFFF  }
0x45: {  	[dreg:$0x0] =	wrdreg $0xFFFFFFFF;
	(pc) =	sbr.abs _section_cstart, $3  }
0x46: {  	[dreg:$0x1] =	wrdreg $0xFFFFFFFF  }
0x47: {  	_ =	task.clear_ibuf [dreg:s23], $0x2FFFF;
	_ =	strace $0x9FFFFFFF  }
0x48: {  	(tm) =	ssettm $0x7FFFFFFF  }
0x49: {  	_ =	shalt  }
tec
execute0_lowered:
.L_overlay_start_1:
0x0: {  	(tag) =	ssettag $0x1  }
0x1: {  	s0 =	stileid.u32;
	s1 =	srdreg.scid  }
0x2: {  	s4 =	rddreg [dreg:$0x0];
	s7 =	simm.s32 $0x1;
	s31 =	simm.s32 $0x2  }
0x3: {  	s16 =	simm.s32 $0x0;
	s2 =	sshll.u32 s0, $0x5;
	s1 =	sshll.u32 s1, $0x9  }
0x4: {  	s9 =	simm.s32 $0x4000;
	s14 =	simm.s32 $0x0;
	s1 =	sor.u32 s2, s1  }
0x5: {  	s15 =	simm.s32 $0x0;
	s10 =	simm.s32 $0x0;
	s2 =	sand.u32 $0x380, s1  }
0x6: {  	s13 =	simm.s32 $0x0;
	s3 =	sadd.s32 $0x900000, s4;
	s5 =	ssub.s32 $0x800, s2  }
0x7: {  	s4 =	sadd.s32 $0xB00000, s4;
	s1 =	rddreg [dreg:$0x1];
	s6 =	sand.u32 $0x380, s5  }
.Ltmp0:
0x8: {  	_ =	strace $0x8000004A;
	p0 =	sne.s32 s6, $0x0;
	(pc) =	sbr.rel .LBB1_1-.Ltmp0, $4  }
0x9: {  	s11 =	smov.u32 s2;
	s8 =	sshrl.u32 s5, $0xA;
	s7 =	simm.s32 @!p0 $0x0  }
0xa: {  	s5 =	sand.u32 $0x3, s0;
	s6 =	simm.s32 $0x1;
	s7 =	sadd.s32 s7, s8  }
0xb: {  	s12 =	smov.u32 s5;
	[sflag:s6] =	ssyncpa.u1 $0x0;
	s7 =	sshll.u32 s7, $0x3  }
0xc: {  	p0 =	por $0x0, $0x0;
	[sflag:s31] =	ssyncpa.u1 $0x0;
	s8 =	sor.u32 $0x1, s7  }
.LBB1_4:
0xd: {  	v5 =	vld [tilespmem:s19+$0xFFFFFFD0]  }
0xe: {  	[tilespmem:s20+$0x2040 ss:$0x81] =	vst.msk $0xffff, v1;
	v58 =	vld [tilespmem:s19+$0xFFFFFFE0]  }
0xf: {  	[tilespmem:s20+$0x2850 ss:$0x81] =	vst.msk $0xffff, v2;
	v59 =	vld [tilespmem:s19+$0xFFFFFFF0]  }
0x10: {  	s21 =	sshra.s32 s21, $0x2;
	[tilespmem:s20+$0x3060 ss:$0x81] =	vst.msk $0xffff, v3;
	v60 =	vld [tilespmem:s19+$0x0]  }
0x11: {  	[tilespmem:s20+$0x0 ss:$0x81] =	vst.msk $0xffff, v0;
	v61 =	vld [tilespmem:s19+$0x10];
	s18 =	sadd.s32 s21, s18  }
0x12: {  	s26 =	sshll.u32 s16, $0xB;
	v62 =	vld [tilespmem:s19+$0x20];
	[tilespmem:s18+$0x3870 ss:$0x81] =	vst.msk $0xffff, v4  }
0x13: {  	s27 =	sand.u32 $0x78, s14;
	s22 =	sshll.u32 s14, $0x3;
	v63 =	vld [tilespmem:s19+$0xFFFFFFC0];
	s29 =	sshll.u32 s16, $0x7;
	[tilespmem:s18+$0x810 ss:$0x81] =	vst.msk $0xffff, v5  }
0x14: {  	s15 =	sshll.u32 s15, $0x12;
	s20 =	sand.u32 $0x1FC000, s26;
	s28 =	sand.u32 $0x1FFC00, s22;
	[tilespmem:s18+$0x1020 ss:$0x81] =	vst.msk $0xffff, v58  }
0x15: {  	s31 =	sand.u32 $0x7, s14;
	s22 =	sand.u32 $0x400, s22;
	s19 =	sadd.s32 s28, s20;
	[tilespmem:s18+$0x1830 ss:$0x81] =	vst.msk $0xffff, v59  }
0x16: {  	s16 =	sand.u32 $0x380, s29;
	s30 =	sor.u32 s27, s22;
	s19 =	sshrl.u32 s19, $0x3;
	[tilespmem:s18+$0x2040 ss:$0x81] =	vst.msk $0xffff, v60  }
0x17: {  	s15 =	sadd.s32 s4, s15;
	s16 =	sor.u32 s16, s30;
	s19 =	sand.u32 $0x3FF00, s19;
	[tilespmem:s18+$0x2850 ss:$0x81] =	vst.msk $0xffff, v61  }
0x18: {  	s14 =	sshll.u32 s31, $0x12;
	s16 =	sshrl.u32 s16, $0x3;
	[tilespmem:s18+$0x3060 ss:$0x81] =	vst.msk $0xffff, v62;
	s15 =	sadd.s32 s19, s15  }
0x19: {  	s14 =	sor.u32 $0x400, s14;
	[tilespmem:s18+$0x0 ss:$0x81] =	vst.msk $0xffff, v63;
	s15 =	sadd.s32 s16, s15  }
0x1a: {  	[hbm4b:s15+s14] =	stream.strided.scatter [tilespmem:s17], [sflag:$0x2], $0x4000, s9, s14, $0x20;
	[tilespmem:$0x10100] =	vst v63  }
.LBB1_5:
0x1b: {  	s17 =	sadd.s32 $0x80, s10  }
0x1c: {  	s14 =	sadd.s32 $0x400, s11;
	s18 =	smov.u32 s11;
	p2 =	sgt.s32 s17, $0x3FF  }
0x1d: {  	s18 =	smov.u32 @p2 s14  }
0x1e: {  	s20 =	smov.u32 s12;
	s14 =	sadd.s32 $0x4, s12;
	p3 =	sgt.s32 s18, $0x7FF  }
0x1f: {  	s20 =	smov.u32 @p3 s14  }
0x20: {  	s17 =	simm.s32 @p2 $0x0;
	p2 =	sgt.s32 s20, $0x3  }
0x21: {  	p1 =	slt.u32 s13, $0x2;
	s20 =	smov.u32 @p2 s5;
	p2 =	sne.s32 s13, s8  }
.Ltmp1:
0x22: {  	s19 =	simm.s32 @!p1 $0x2;
	(pc) =	sbr.rel @!p2 .LBB1_6-.Ltmp1, $4  }
0x23: {  	s16 =	smov.u32 s10;
	s15 =	smov.u32 s12;
	_ =	swait.ge @!p1 [sflag:s19], $0x4000  }
0x24: {  	p0 =	por !p0, !p0;
	[sflag:s19] =	ssyncset.done @!p1 $0x0;
	s10 =	smov.u32 s17  }
0x25: {  	s18 =	smov.u32 @p3 s2;
	s14 =	smov.u32 s11;
	[sflag:s19] =	ssyncadd.s32 @!p1 $0xFFFFC000  }
0x26: {  	s11 =	smov.u32 s18;
	s13 =	sadd.s32 $0x1, s13;
	s12 =	smov.u32 s20  }
.LBB1_1:
0x27: {  	p1 =	sge.u32 s13, s7  }
0x28: {  	s31 =	sadd.s32 $0xFFFFFFFF, s13;
	s17 =	sshll.u32 @!p1 s11, $0x7  }
0x29: {  	s18 =	sxor.u32 @!p1 $0xFFFFFFFF, s13;
	s19 =	sand.u32 @!p1 $0x78, s10;
	s20 =	sand.u32 @!p1 $0x380, s17  }
0x2a: {  	s18 =	sshll.u32 @!p1 s18, $0xE;
	s19 =	sor.u32 @!p1 s19, s20;
	s20 =	sshll.u32 @!p1 s12, $0x12  }
0x2b: {  	s17 =	sand.u32 @!p1 $0x3FC00, s17;
	s19 =	sshrl.u32 @!p1 s19, $0x3;
	s20 =	sadd.s32 @!p1 s3, s20  }
0x2c: {  	s17 =	sadd.s32 @!p1 s10, s17;
	s19 =	sadd.s32 @!p1 s19, s20;
	s20 =	sand.u32 @!p1 $0x7, s10  }
0x2d: {  	s18 =	sand.u32 @!p1 $0x4000, s18;
	s17 =	sand.u32 @!p1 $0x3FF80, s17;
	s20 =	sshll.u32 @!p1 s20, $0x12  }
0x2e: {  	s17 =	sadd.s32 @!p1 s17, s19;
	s19 =	sor.u32 @!p1 $0x400, s20;
	s20 =	simm.s32 @!p1 $0x2000  }
0x2f: {  	[tilespmem:s18], [sflag:$0x1] =	stream.strided.gather @!p1 [hbm4b:s17+s19], $0x4000, s20, s19, $0x38;
	[tilespmem:$0x10100] =	vst v63  }
0x30: {  	p1 =	sge.u32 s31, s7  }
.Ltmp2:
0x31: {  	_ = 	snop;
	(pc) =	sbr.rel @p1 .LBB1_5-.Ltmp2, $1  }
0x32: {  	_ =	sdelay $0x3  }
0x33: {  	s17 =	simm.s32 $0x1  }
0x34: {  	_ =	swait.ge [sflag:s6], $0x4000;
	s17 =	simm.s32 @!p0 $0x0  }
0x35: {  	[sflag:s6] =	ssyncset.done $0x0;
	s18 =	sshll.u32 s17, $0xE  }
0x36: {  	[sflag:s6] =	ssyncadd.s32 $0xFFFFC000;
	s19 =	sor.u32 $0x40, s18  }
0x37: {  	s17 =	smul.u32 $0x10200, s17;
	v0 =	vld [tilespmem:s19+$0x30]  }
0x38: {  	v3 =	vld [tilespmem:s19+$0xFFFFFFD0]  }
0x39: {  	s17 =	sshrl.u32 s17, $0x2;
	v4 =	vld [tilespmem:s19+$0xFFFFFFE0]  }
0x3a: {  	v5 =	vld [tilespmem:s19+$0xFFFFFFF0];
	s18 =	sor.u32 $0x8000, s17  }
0x3b: {  	s31 =	sand.u32 $0x1, s13;
	v1 =	vld [tilespmem:s19+$0x0];
	s20 =	sadd.s32 $0x0, s18  }
0x3c: {  	v2 =	vld [tilespmem:s19+$0x10];
	s17 =	smul.u32 $0x10200, s31;
	[tilespmem:s20+$0x3870 ss:$0x81] =	vst.msk $0xffff, v0  }
0x3d: {  	[tilespmem:s20+$0x810 ss:$0x81] =	vst.msk $0xffff, v3;
	v3 =	vld [tilespmem:s19+$0x20]  }
0x3e: {  	s17 =	sshrl.u32 s17, $0x2;
	v0 =	vld [tilespmem:s19+$0xFFFFFFC0];
	[tilespmem:s20+$0x1020 ss:$0x81] =	vst.msk $0xffff, v4;
	s19 =	sadd.s32 $0x80, s19  }
0x3f: {  	s21 =	simm.s32 $0x4;
	s22 =	simm.s32 $0x8;
	s17 =	sor.u32 $0x8000, s17;
	[tilespmem:s20+$0x1830 ss:$0x81] =	vst.msk $0xffff, v5;
	v4 =	vld [tilespmem:s19+$0x30]  }
.LBB1_3:
0x40: {  	p1 =	sne.s32 s22, $0x1FC;
	v5 =	vld [tilespmem:s19+$0xFFFFFFD0];
	[tilespmem:s20+$0x2040 ss:$0x81] =	vst.msk $0xffff, v1  }
0x41: {  	v6 =	vld [tilespmem:s19+$0xFFFFFFE0];
	[tilespmem:s20+$0x2850 ss:$0x81] =	vst.msk $0xffff, v2  }
0x42: {  	s23 =	sshra.s32 s21, $0x2;
	s21 =	smov.u32 s22;
	v7 =	vld [tilespmem:s19+$0xFFFFFFF0];
	[tilespmem:s20+$0x3060 ss:$0x81] =	vst.msk $0xffff, v3  }
.Ltmp3:
0x43: {  	v1 =	vld [tilespmem:s19+$0x0];
	[tilespmem:s20+$0x0 ss:$0x81] =	vst.msk $0xffff, v0;
	s20 =	sadd.s32 s23, s18;
	(pc) =	sbr.rel @p1 .LBB1_3-.Ltmp3, $4  }
0x44: {  	v2 =	vld [tilespmem:s19+$0x10];
	[tilespmem:s20+$0x3870 ss:$0x81] =	vst.msk $0xffff, v4  }
0x45: {  	[tilespmem:s20+$0x810 ss:$0x81] =	vst.msk $0xffff, v5;
	v3 =	vld [tilespmem:s19+$0x20]  }
0x46: {  	v0 =	vld [tilespmem:s19+$0xFFFFFFC0];
	[tilespmem:s20+$0x1020 ss:$0x81] =	vst.msk $0xffff, v6;
	s19 =	sadd.s32 $0x80, s19  }
0x47: {  	s22 =	sadd.s32 $0x4, s22;
	v4 =	vld [tilespmem:s19+$0x30];
	[tilespmem:s20+$0x1830 ss:$0x81] =	vst.msk $0xffff, v7  }
.Ltmp4:
0x48: {  	_ = 	snop;
	(pc) =	sbr.rel .LBB1_4-.Ltmp4, $1  }
0x49: {  	_ =	sdelay $0x3  }
.LBB1_6:
0x4a: {  	_ =	sfence.sel $0x180000  }
0x4b: {  	s2 =	simm.s32 $0x1;
	[bflag:$0x0] =	sbarrier.arrive $0xFFFF  }
0x4c: {  	s31 =	simm.s32 $0x2;
	[sflag:s2] =	ssyncpa.u1 $0x1  }
0x4d: {  	[sflag:s31] =	ssyncpa.u1 $0x1  }
0x4e: {  	p0 =	sne.s32 s0, $0x0;
	_ =	strace $0x9000004A  }
0x4f: {  	s0 =	sadd.s32 @!p0 $0x100000, s1;
	[bflag:$0x2] =	sbarrier.arrive $0xFFFF  }
0x50: {  	[sflag:s0] =	ssyncadd.tile.s32 @!p0 $0x1;
	_ =	shalt  }
.Lfunc_end1:
_tile_overlayer_lowered:
.L_overlay_start_2:
0x51: {  	(tag) =	ssettag $0x2  }
0x52: {  	s0 =	rddreg [dreg:$0x0];
	s2 =	stileid.u32  }
0x53: {  	s1 =	rddreg [dreg:$0x1];
	p0 =	sne.s32 s2, $0x0  }
0x54: {  	s3 =	rddreg [dreg:$0x2];
	[bflag:$0x3] =	sbarrier.arrive $0xFFFF;
	s2 =	simm.s32 @!p0 $0x1C01  }
0x55: {  	[timem:s3], [sflag:s2] =	dma.local @!p0 [hbm:s0], s1  }
0x56: {  	s0 =	simm.s32 @!p0 $0x1  }
0x57: {  	_ =	swait.ge @!p0 [sflag:s0], s1  }
0x58: {  	s1 =	ssub.s32 @!p0 $0x0, s1;
	[sflag:s0] =	ssyncset.done @!p0 $0x0  }
0x59: {  	[sflag:s0] =	ssyncadd.s32 @!p0 s1  }
0x5a: {  	[bflag:$0x3] =	sbarrier.arrive $0xFFFF  }
0x5b: {  	_ =	shalt  }

</sc_bundles>
